<compile_context>
chip_gen: v7x
topology: tpu7x:2x2x1
jax: 0.10.2.dev20260603
libtpu: 0.0.44.dev20260713+nightly
codegen_flags: <defaults>
</compile_context>

<pallas_src>
import functools

import jax
import jax.numpy as jnp
from jax import lax
from jax.experimental import pallas as pl
from jax.experimental.pallas import tpu as pltpu
from jax.experimental.pallas import tpu_sc as plsc

N = 10000
NP = 10240
E = 320000
D = 128
G = 64
H = 64
C = 2

NC = 2
NS = 16
K = 125
TILE_EDGES = E // (NC * NS)
CHUNKS = TILE_EDGES // K
RPS = NP // NS
BLK = 1024
NBLK = NP // BLK

_PREC = lax.Precision.HIGHEST


def _sc_agg_body(x_hbm, src_hbm, dst_hbm, zeros_hbm,
                 p_ref, src_v, dst_v, rows2, gsem, acc):
    c = lax.axis_index("c")
    s = lax.axis_index("s")
    wid = c * NS + s
    r0 = s * RPS
    pltpu.sync_copy(zeros_hbm.at[pl.ds(r0, RPS)], acc.at[pl.ds(r0, RPS)])
    pltpu.sync_copy(src_hbm.at[wid], src_v)
    pltpu.sync_copy(dst_hbm.at[wid], dst_v)
    plsc.subcore_barrier()

    def step(j, carry):
        pltpu.async_copy(x_hbm.at[src_v.at[j]], rows2, gsem).wait()
        pltpu.sync_copy(rows2, acc.at[dst_v.at[j]], add=True)
        return carry

    lax.fori_loop(0, CHUNKS, step, 0)
    plsc.subcore_barrier()
    pltpu.sync_copy(acc.at[pl.ds(r0, RPS)], p_ref.at[c, pl.ds(r0, RPS)])


def _sc_aggcnt_body(x_hbm, src_hbm, dst_hbm, zeros_hbm, ones_hbm,
                    p_ref, cnt_ref, src_v, dst_v, rows2, gsem, acc):
    c = lax.axis_index("c")
    s = lax.axis_index("s")
    wid = c * NS + s
    r0 = s * RPS
    pltpu.sync_copy(zeros_hbm.at[pl.ds(r0, RPS)], acc.at[pl.ds(r0, RPS)])
    pltpu.sync_copy(src_hbm.at[wid], src_v)
    pltpu.sync_copy(dst_hbm.at[wid], dst_v)
    plsc.subcore_barrier()

    def phase_body(ph, carry):
        @pl.when(ph == 1)
        def _():
            plsc.subcore_barrier()
            pltpu.sync_copy(acc.at[pl.ds(r0, RPS)], p_ref.at[c, pl.ds(r0, RPS)])
            plsc.subcore_barrier()
            pltpu.sync_copy(zeros_hbm.at[pl.ds(r0, RPS)],
                            acc.at[pl.ds(r0, RPS)])
            pltpu.sync_copy(ones_hbm, rows2)
            plsc.subcore_barrier()

        def step(j, c2):
            @pl.when(ph == 0)
            def _():
                pltpu.async_copy(x_hbm.at[src_v.at[j]], rows2, gsem).wait()

            pltpu.sync_copy(rows2, acc.at[dst_v.at[j]], add=True)
            return c2

        lax.fori_loop(0, CHUNKS, step, 0)
        return carry

    lax.fori_loop(0, 2, phase_body, 0)
    plsc.subcore_barrier()
    pltpu.sync_copy(acc.at[pl.ds(r0, RPS)], cnt_ref.at[c, pl.ds(r0, RPS)])


def _make_sc_aggcnt():
    mesh = plsc.VectorSubcoreMesh(core_axis_name="c", subcore_axis_name="s")
    return pl.kernel(
        _sc_aggcnt_body,
        out_type=[jax.ShapeDtypeStruct((NC, NP, D), jnp.float32),
                  jax.ShapeDtypeStruct((NC, NP, D), jnp.float32)],
        mesh=mesh,
        scratch_types=[
            pltpu.VMEM((CHUNKS, K), jnp.int32),
            pltpu.VMEM((CHUNKS, K), jnp.int32),
            pltpu.VMEM((K, D), jnp.float32),
            pltpu.SemaphoreType.DMA,
            pltpu.VMEM_SHARED((NP, D), jnp.float32),
        ],
    )


def _sc_cnt_body(dst_hbm, zeros_hbm, ones_hbm,
                 cnt_ref, dst_v, ones_v, csem, cntacc):
    c = lax.axis_index("c")
    s = lax.axis_index("s")
    wid = c * NS + s
    r0 = s * RPS
    pltpu.sync_copy(zeros_hbm.at[pl.ds(r0, RPS)], cntacc.at[pl.ds(r0, RPS)])
    pltpu.sync_copy(ones_hbm, ones_v)
    pltpu.sync_copy(dst_hbm.at[wid], dst_v)
    plsc.subcore_barrier()

    def chunk(j, carry):
        @pl.when(j < CHUNKS)
        def _():
            pltpu.async_copy(ones_v, cntacc.at[dst_v.at[j]], csem, add=True)

        @pl.when(j >= 2)
        def _():
            pltpu.make_async_copy(ones_v, cntacc.at[dst_v.at[0]], csem).wait()

        return carry

    lax.fori_loop(0, CHUNKS + 2, chunk, 0)
    plsc.subcore_barrier()
    pltpu.sync_copy(cntacc.at[pl.ds(r0, RPS)], cnt_ref.at[c, pl.ds(r0, RPS)])


def _make_sc_agg():
    mesh = plsc.VectorSubcoreMesh(core_axis_name="c", subcore_axis_name="s")
    return pl.kernel(
        _sc_agg_body,
        out_type=jax.ShapeDtypeStruct((NC, NP, D), jnp.float32),
        mesh=mesh,
        scratch_types=[
            pltpu.VMEM((CHUNKS, K), jnp.int32),
            pltpu.VMEM((CHUNKS, K), jnp.int32),
            pltpu.VMEM((K, D), jnp.float32),
            pltpu.SemaphoreType.DMA,
            pltpu.VMEM_SHARED((NP, D), jnp.float32),
        ],
    )


def _make_sc_cnt():
    mesh = plsc.VectorSubcoreMesh(core_axis_name="c", subcore_axis_name="s")
    return pl.kernel(
        _sc_cnt_body,
        out_type=jax.ShapeDtypeStruct((NC, NP, D), jnp.float32),
        mesh=mesh,
        scratch_types=[
            pltpu.VMEM((CHUNKS, K), jnp.int32),
            pltpu.VMEM((K, D), jnp.float32),
            pltpu.SemaphoreType.DMA,
            pltpu.VMEM_SHARED((NP, D), jnp.float32),
        ],
    )


def _combine_body(x_ref, p_ref, cnt_ref, ws_ref, wn_ref, o_ref):
    ssum = p_ref[0] + p_ref[1]
    cntv = cnt_ref[0, :, 0:1] + cnt_ref[1, :, 0:1]
    agg = ssum / jnp.maximum(cntv, 1.0)
    h = (jnp.dot(x_ref[...], ws_ref[...], precision=_PREC,
                 preferred_element_type=jnp.float32)
         + jnp.dot(agg, wn_ref[...], precision=_PREC,
                   preferred_element_type=jnp.float32))
    o_ref[...] = jnp.where(h >= 0.0, h, 0.01 * h)


def _combine1(x, p, cnt, ws, wn):
    return pl.pallas_call(
        _combine_body,
        grid=(NBLK,),
        in_specs=[
            pl.BlockSpec((BLK, D), lambda i: (i, 0)),
            pl.BlockSpec((NC, BLK, D), lambda i: (0, i, 0)),
            pl.BlockSpec((NC, BLK, D), lambda i: (0, i, 0)),
            pl.BlockSpec((D, D), lambda i: (0, 0)),
            pl.BlockSpec((D, D), lambda i: (0, 0)),
        ],
        out_specs=pl.BlockSpec((BLK, D), lambda i: (i, 0)),
        out_shape=jax.ShapeDtypeStruct((NP, D), jnp.float32),
    )(x, p, cnt, ws, wn)


def _final_body(x_ref, p_ref, cnt_ref, ws_ref, wn_ref, batch_ref,
                w1_ref, b1_ref, w2_ref, b2_ref, o_ref, pacc, cacc):
    i = pl.program_id(0)
    ssum = p_ref[0] + p_ref[1]
    cntv = cnt_ref[0, :, 0:1] + cnt_ref[1, :, 0:1]
    agg = ssum / jnp.maximum(cntv, 1.0)
    h = (jnp.dot(x_ref[...], ws_ref[...], precision=_PREC,
                 preferred_element_type=jnp.float32)
         + jnp.dot(agg, wn_ref[...], precision=_PREC,
                   preferred_element_type=jnp.float32))
    h = jnp.where(h >= 0.0, h, 0.01 * h)
    ids = batch_ref[0]
    io = lax.broadcasted_iota(jnp.int32, (G, BLK), 0)
    oh = (io == ids).astype(jnp.float32)

    @pl.when(i == 0)
    def _():
        pacc[...] = jnp.zeros_like(pacc)
        cacc[...] = jnp.zeros_like(cacc)

    pacc[...] += jnp.dot(oh, h, precision=_PREC,
                         preferred_element_type=jnp.float32)
    cacc[...] += jnp.dot(oh, jnp.ones((BLK, D), jnp.float32), precision=_PREC,
                         preferred_element_type=jnp.float32)

    @pl.when(i == NBLK - 1)
    def _():
        pooled = pacc[...] / jnp.maximum(cacc[...], 1.0)
        t = jnp.dot(pooled, w1_ref[...], precision=_PREC,
                    preferred_element_type=jnp.float32) + b1_ref[...]
        t = jnp.maximum(t, 0.0)
        o_ref[...] = jnp.dot(t, w2_ref[...], precision=_PREC,
                             preferred_element_type=jnp.float32) + b2_ref[...]


def _final(x, p, cnt, ws, wn, batch3, w1, b1, w2, b2):
    return pl.pallas_call(
        _final_body,
        grid=(NBLK,),
        in_specs=[
            pl.BlockSpec((BLK, D), lambda i: (i, 0)),
            pl.BlockSpec((NC, BLK, D), lambda i: (0, i, 0)),
            pl.BlockSpec((NC, BLK, D), lambda i: (0, i, 0)),
            pl.BlockSpec((D, D), lambda i: (0, 0)),
            pl.BlockSpec((D, D), lambda i: (0, 0)),
            pl.BlockSpec((1, 1, BLK), lambda i: (i, 0, 0)),
            pl.BlockSpec((D, H), lambda i: (0, 0)),
            pl.BlockSpec((1, H), lambda i: (0, 0)),
            pl.BlockSpec((H, C), lambda i: (0, 0)),
            pl.BlockSpec((1, C), lambda i: (0, 0)),
        ],
        out_specs=pl.BlockSpec((G, C), lambda i: (0, 0)),
        out_shape=jax.ShapeDtypeStruct((G, C), jnp.float32),
        scratch_shapes=[
            pltpu.VMEM((G, D), jnp.float32),
            pltpu.VMEM((G, D), jnp.float32),
        ],
    )(x, p, cnt, ws, wn, batch3, w1, b1, w2, b2)


def kernel(x_lesion, edge_index, batch_lesion,
           W_self1, W_neigh1, W_self2, W_neigh2, W1, b1, W2, b2):
    x = jnp.concatenate(
        [x_lesion, jnp.zeros((NP - N, D), jnp.float32)], axis=0)
    src = edge_index[0].astype(jnp.int32).reshape(NC * NS, CHUNKS, K)
    dst = edge_index[1].astype(jnp.int32).reshape(NC * NS, CHUNKS, K)
    batch3 = jnp.concatenate(
        [batch_lesion.astype(jnp.int32),
         jnp.full((NP - N,), G, jnp.int32)]).reshape(NBLK, 1, BLK)
    zeros = jnp.zeros((NP, D), jnp.float32)
    ones = jnp.ones((K, D), jnp.float32)

    p1, cnt = _make_sc_aggcnt()(x, src, dst, zeros, ones)
    h2 = _combine1(x, p1, cnt, W_self1, W_neigh1)
    p2 = _make_sc_agg()(h2, src, dst, zeros)
    return _final(h2, p2, cnt, W_self2, W_neigh2, batch3,
                  W1, b1.reshape(1, H), W2, b2.reshape(1, C))

# --- scband reference (transcript-rebuilt; emitter-appended) ---
"""Pipeline reference for scband-parent-heterogeneous-gnn-85255100825913 (READ-ONLY COPY).

The authoritative reference and input builder live on the scoring server;
editing this copy changes nothing except your own understanding.
"""

import jax, jax.numpy as jnp
import numpy as np

N = 10000      # lesion nodes
E = 320000     # edges (lesion -> lesion)
D = 128        # hidden_dim
H = 64         # hidden_dim // 2
C = 2          # num_classes
G = 64         # number of graphs in the batch


def setup_inputs(seed: int = 0) -> dict:
    key = jax.random.key(seed)
    ks = jax.random.split(key, 12)
    x_lesion = jax.random.normal(ks[0], (N, D), dtype=jnp.float32)
    edge_index = jax.random.randint(ks[1], (2, E), 0, N)
    batch_lesion = jnp.sort(jax.random.randint(ks[2], (N,), 0, G))
    s = 1.0 / np.sqrt(D)
    # two hetero SAGE-style conv layers (self + neighbor-mean weights), the
    # concrete realization of the abstract self.convs ModuleList
    W_self1 = jax.random.normal(ks[3], (D, D), dtype=jnp.float32) * s
    W_neigh1 = jax.random.normal(ks[4], (D, D), dtype=jnp.float32) * s
    W_self2 = jax.random.normal(ks[5], (D, D), dtype=jnp.float32) * s
    W_neigh2 = jax.random.normal(ks[6], (D, D), dtype=jnp.float32) * s
    # readout MLP: lin1 (D -> D//2), lin2 (D//2 -> num_classes)
    W1 = jax.random.normal(ks[7], (D, H), dtype=jnp.float32) * s
    b1 = jnp.zeros((H,), dtype=jnp.float32)
    W2 = jax.random.normal(ks[8], (H, C), dtype=jnp.float32) * (1.0 / np.sqrt(H))
    b2 = jnp.zeros((C,), dtype=jnp.float32)
    return {
        "x_lesion": x_lesion,
        "edge_index": edge_index,
        "batch_lesion": batch_lesion,
        "W_self1": W_self1, "W_neigh1": W_neigh1,
        "W_self2": W_self2, "W_neigh2": W_neigh2,
        "W1": W1, "b1": b1, "W2": W2, "b2": b2,
    }


def _mean_aggregate(h, src, dst):
    msg = jnp.take(h, src, axis=0)                       # gather over edges
    s = jax.ops.segment_sum(msg, dst, num_segments=N)    # scatter-add to dst
    cnt = jax.ops.segment_sum(jnp.ones((src.shape[0], 1), h.dtype), dst, num_segments=N)
    return s / jnp.maximum(cnt, 1.0)


def reference(x_lesion, edge_index, batch_lesion,
              W_self1, W_neigh1, W_self2, W_neigh2, W1, b1, W2, b2):
    src = edge_index[0]
    dst = edge_index[1]
    h = x_lesion
    for Ws, Wn in ((W_self1, W_neigh1), (W_self2, W_neigh2)):
        agg = _mean_aggregate(h, src, dst)
        h = h @ Ws + agg @ Wn
        h = jax.nn.leaky_relu(h, negative_slope=0.01)
    # global_mean_pool over the 'lesion' node type
    pooled_sum = jax.ops.segment_sum(h, batch_lesion, num_segments=G)
    cnt = jax.ops.segment_sum(jnp.ones((N, 1), h.dtype), batch_lesion, num_segments=G)
    pooled = pooled_sum / jnp.maximum(cnt, 1.0)
    out = jax.nn.relu(pooled @ W1 + b1)
    # F.dropout(p=0.5, training=self.training) -- eval mode: identity
    out = out @ W2 + b2
    return out

if __name__ == "__main__":
    import jax
    _d = setup_inputs()
    print(jax.jit(kernel)(*tuple(_d.values())))

</pallas_src>

<mosaic_0001>
#map = affine_map<(d0, d1) -> (0, 0)>
#map1 = affine_map<(d0, d1) -> (0, 0, 0)>
module attributes {stable_mosaic.version = 14 : i64} {
  func.func @_sc_aggcnt_body(%arg0: i32, %arg1: i32, %arg2: memref<10240x128xf32, #tpu.memory_space<hbm>>, %arg3: memref<32x80x125xi32, #tpu.memory_space<hbm>>, %arg4: memref<32x80x125xi32, #tpu.memory_space<hbm>>, %arg5: memref<10240x128xf32, #tpu.memory_space<hbm>>, %arg6: memref<125x128xf32, #tpu.memory_space<hbm>>, %arg7: memref<2x10240x128xf32, #tpu.memory_space<hbm>>, %arg8: memref<2x10240x128xf32, #tpu.memory_space<hbm>>, %arg9: memref<80x125xi32, #tpu.memory_space<vmem>>, %arg10: memref<80x125xi32, #tpu.memory_space<vmem>>, %arg11: memref<125x128xf32, #tpu.memory_space<vmem>>, %arg12: memref<!tpu.dma_semaphore, #tpu.memory_space<semaphore_mem>>, %arg13: memref<10240x128xf32, #tpu.memory_space<vmem_shared>>) attributes {dimension_semantics = [#tpu.dimension_semantics<core_parallel>, #tpu.dimension_semantics<subcore_parallel>], iteration_bounds = array<i64: 2, 16>, scalar_prefetch = 0 : i64, scratch_operands = 5 : i64, tpu.core_type = #tpu.core_type<sc_vector_subcore>, window_params = [{transform_indices = #map}, {transform_indices = #map1}, {transform_indices = #map1}, {transform_indices = #map}, {transform_indices = #map}, {transform_indices = #map1}, {transform_indices = #map1}]} {
    %mul3A = arith.constant 16 : i32
    %mul3A_0 = arith.muli %arg0, %mul3A : i32
    %add3A = arith.addi %mul3A_0, %arg1 : i32
    %mul3A_1 = arith.constant 640 : i32
    %mul3A_2 = arith.muli %arg1, %mul3A_1 : i32
    "tpu.region"() ({
      %run_scoped3A = tpu.sem_alloc : memref<!tpu.dma_semaphore, #tpu.memory_space<semaphore_mem>>
      %dma_start3A = arith.constant 0 : i32
      %dma_start3A_9 = tpu.memref_slice %arg13[%mul3A_2, %dma_start3A] : memref<10240x128xf32, #tpu.memory_space<vmem_shared>> -> memref<640x128xf32, #tpu.memory_space<vmem_shared>>
      %dma_start3A_10 = arith.constant 0 : i32
      %dma_start3A_11 = tpu.memref_slice %arg5[%mul3A_2, %dma_start3A_10] : memref<10240x128xf32, #tpu.memory_space<hbm>> -> memref<640x128xf32, #tpu.memory_space<hbm>>
      tpu.enqueue_dma source(%dma_start3A_11 : memref<640x128xf32, #tpu.memory_space<hbm>>) target(%dma_start3A_9 : memref<640x128xf32, #tpu.memory_space<vmem_shared>>) target_semaphore(%run_scoped3A : memref<!tpu.dma_semaphore, #tpu.memory_space<semaphore_mem>>)
      %dma_wait3A = arith.constant 0 : i32
      %dma_wait3A_12 = tpu.memref_slice %arg13[%mul3A_2, %dma_wait3A] : memref<10240x128xf32, #tpu.memory_space<vmem_shared>> -> memref<640x128xf32, #tpu.memory_space<vmem_shared>>
      %dma_wait3A_13 = arith.constant 0 : i32
      %dma_wait3A_14 = tpu.memref_slice %arg5[%mul3A_2, %dma_wait3A_13] : memref<10240x128xf32, #tpu.memory_space<hbm>> -> memref<640x128xf32, #tpu.memory_space<hbm>>
      tpu.wait_dma2 semaphore(%run_scoped3A : memref<!tpu.dma_semaphore, #tpu.memory_space<semaphore_mem>>) src(%dma_wait3A_14 : memref<640x128xf32, #tpu.memory_space<hbm>>) dst(%dma_wait3A_12 : memref<640x128xf32, #tpu.memory_space<vmem_shared>>)
      tpu.yield
    }) : () -> ()
    "tpu.region"() ({
      %run_scoped3A = tpu.sem_alloc : memref<!tpu.dma_semaphore, #tpu.memory_space<semaphore_mem>>
      %dma_start3A = arith.constant 0 : i32
      %dma_start3A_9 = arith.constant 0 : i32
      %dma_start3A_10 = tpu.memref_slice %arg3[%add3A, %dma_start3A, %dma_start3A_9] : memref<32x80x125xi32, #tpu.memory_space<hbm>> -> memref<1x80x125xi32, #tpu.memory_space<hbm>>
      %dma_start3A_11 = tpu.memref_squeeze %dma_start3A_10 : memref<1x80x125xi32, #tpu.memory_space<hbm>> -> memref<80x125xi32, #tpu.memory_space<hbm>>
      %dma_start3A_12 = arith.constant 0 : i32
      %dma_start3A_13 = arith.constant 0 : i32
      %dma_start3A_14 = tpu.memref_slice %arg3[%add3A, %dma_start3A_12, %dma_start3A_13] : memref<32x80x125xi32, #tpu.memory_space<hbm>> -> memref<1x80x125xi32, #tpu.memory_space<hbm>>
      %dma_start3A_15 = tpu.memref_squeeze %dma_start3A_14 : memref<1x80x125xi32, #tpu.memory_space<hbm>> -> memref<80x125xi32, #tpu.memory_space<hbm>>
      tpu.enqueue_dma source(%dma_start3A_15 : memref<80x125xi32, #tpu.memory_space<hbm>>) target(%arg9 : memref<80x125xi32, #tpu.memory_space<vmem>>) target_semaphore(%run_scoped3A : memref<!tpu.dma_semaphore, #tpu.memory_space<semaphore_mem>>)
      %dma_wait3A = arith.constant 0 : i32
      %dma_wait3A_16 = arith.constant 0 : i32
      %dma_wait3A_17 = tpu.memref_slice %arg3[%add3A, %dma_wait3A, %dma_wait3A_16] : memref<32x80x125xi32, #tpu.memory_space<hbm>> -> memref<1x80x125xi32, #tpu.memory_space<hbm>>
      %dma_wait3A_18 = tpu.memref_squeeze %dma_wait3A_17 : memref<1x80x125xi32, #tpu.memory_space<hbm>> -> memref<80x125xi32, #tpu.memory_space<hbm>>
      %dma_wait3A_19 = arith.constant 0 : i32
      %dma_wait3A_20 = arith.constant 0 : i32
      %dma_wait3A_21 = tpu.memref_slice %arg3[%add3A, %dma_wait3A_19, %dma_wait3A_20] : memref<32x80x125xi32, #tpu.memory_space<hbm>> -> memref<1x80x125xi32, #tpu.memory_space<hbm>>
      %dma_wait3A_22 = tpu.memref_squeeze %dma_wait3A_21 : memref<1x80x125xi32, #tpu.memory_space<hbm>> -> memref<80x125xi32, #tpu.memory_space<hbm>>
      tpu.wait_dma2 semaphore(%run_scoped3A : memref<!tpu.dma_semaphore, #tpu.memory_space<semaphore_mem>>) src(%dma_wait3A_22 : memref<80x125xi32, #tpu.memory_space<hbm>>) dst(%arg9 : memref<80x125xi32, #tpu.memory_space<vmem>>)
      tpu.yield
    }) : () -> ()
    "tpu.region"() ({
      %run_scoped3A = tpu.sem_alloc : memref<!tpu.dma_semaphore, #tpu.memory_space<semaphore_mem>>
      %dma_start3A = arith.constant 0 : i32
      %dma_start3A_9 = arith.constant 0 : i32
      %dma_start3A_10 = tpu.memref_slice %arg4[%add3A, %dma_start3A, %dma_start3A_9] : memref<32x80x125xi32, #tpu.memory_space<hbm>> -> memref<1x80x125xi32, #tpu.memory_space<hbm>>
      %dma_start3A_11 = tpu.memref_squeeze %dma_start3A_10 : memref<1x80x125xi32, #tpu.memory_space<hbm>> -> memref<80x125xi32, #tpu.memory_space<hbm>>
      %dma_start3A_12 = arith.constant 0 : i32
      %dma_start3A_13 = arith.constant 0 : i32
      %dma_start3A_14 = tpu.memref_slice %arg4[%add3A, %dma_start3A_12, %dma_start3A_13] : memref<32x80x125xi32, #tpu.memory_space<hbm>> -> memref<1x80x125xi32, #tpu.memory_space<hbm>>
      %dma_start3A_15 = tpu.memref_squeeze %dma_start3A_14 : memref<1x80x125xi32, #tpu.memory_space<hbm>> -> memref<80x125xi32, #tpu.memory_space<hbm>>
      tpu.enqueue_dma source(%dma_start3A_15 : memref<80x125xi32, #tpu.memory_space<hbm>>) target(%arg10 : memref<80x125xi32, #tpu.memory_space<vmem>>) target_semaphore(%run_scoped3A : memref<!tpu.dma_semaphore, #tpu.memory_space<semaphore_mem>>)
      %dma_wait3A = arith.constant 0 : i32
      %dma_wait3A_16 = arith.constant 0 : i32
      %dma_wait3A_17 = tpu.memref_slice %arg4[%add3A, %dma_wait3A, %dma_wait3A_16] : memref<32x80x125xi32, #tpu.memory_space<hbm>> -> memref<1x80x125xi32, #tpu.memory_space<hbm>>
      %dma_wait3A_18 = tpu.memref_squeeze %dma_wait3A_17 : memref<1x80x125xi32, #tpu.memory_space<hbm>> -> memref<80x125xi32, #tpu.memory_space<hbm>>
      %dma_wait3A_19 = arith.constant 0 : i32
      %dma_wait3A_20 = arith.constant 0 : i32
      %dma_wait3A_21 = tpu.memref_slice %arg4[%add3A, %dma_wait3A_19, %dma_wait3A_20] : memref<32x80x125xi32, #tpu.memory_space<hbm>> -> memref<1x80x125xi32, #tpu.memory_space<hbm>>
      %dma_wait3A_22 = tpu.memref_squeeze %dma_wait3A_21 : memref<1x80x125xi32, #tpu.memory_space<hbm>> -> memref<80x125xi32, #tpu.memory_space<hbm>>
      tpu.wait_dma2 semaphore(%run_scoped3A : memref<!tpu.dma_semaphore, #tpu.memory_space<semaphore_mem>>) src(%dma_wait3A_22 : memref<80x125xi32, #tpu.memory_space<hbm>>) dst(%arg10 : memref<80x125xi32, #tpu.memory_space<vmem>>)
      tpu.yield
    }) : () -> ()
    %barrier3A = arith.constant 0 : index
    tpu.barrier barrier_id(%barrier3A)
    %scan3A = arith.constant 0 : i32
    %scan3A_3 = arith.constant 0 : i32
    %scan3A_4 = arith.constant 2 : i32
    %scan3A_5 = arith.addi %scan3A_3, %scan3A_4 : i32
    %scan3A_6 = arith.constant 1 : i32
    scf.for %scan3A_9 = %scan3A_3 to %scan3A_5 step %scan3A_6  : i32 {
      %eq3A = arith.constant 1 : i32
      %eq3A_10 = arith.cmpi eq, %scan3A_9, %eq3A : i32
      %convert_element_type3A = arith.extui %eq3A_10 : i1 to i32
      %cond3A = arith.constant 0 : i32
      %cond3A_11 = arith.cmpi ne, %convert_element_type3A, %cond3A : i32
      scf.if %cond3A_11 {
        %barrier3A_18 = arith.constant 0 : index
        tpu.barrier barrier_id(%barrier3A_18)
        "tpu.region"() ({
          %run_scoped3A = tpu.sem_alloc : memref<!tpu.dma_semaphore, #tpu.memory_space<semaphore_mem>>
          %dma_start3A = arith.constant 0 : i32
          %dma_start3A_21 = tpu.memref_slice %arg7[%arg0, %mul3A_2, %dma_start3A] : memref<2x10240x128xf32, #tpu.memory_space<hbm>> -> memref<1x640x128xf32, #tpu.memory_space<hbm>>
          %dma_start3A_22 = tpu.memref_squeeze %dma_start3A_21 : memref<1x640x128xf32, #tpu.memory_space<hbm>> -> memref<640x128xf32, #tpu.memory_space<hbm>>
          %dma_start3A_23 = arith.constant 0 : i32
          %dma_start3A_24 = tpu.memref_slice %arg13[%mul3A_2, %dma_start3A_23] : memref<10240x128xf32, #tpu.memory_space<vmem_shared>> -> memref<640x128xf32, #tpu.memory_space<vmem_shared>>
          tpu.enqueue_dma source(%dma_start3A_24 : memref<640x128xf32, #tpu.memory_space<vmem_shared>>) target(%dma_start3A_22 : memref<640x128xf32, #tpu.memory_space<hbm>>) target_semaphore(%run_scoped3A : memref<!tpu.dma_semaphore, #tpu.memory_space<semaphore_mem>>)
          %dma_wait3A = arith.constant 0 : i32
          %dma_wait3A_25 = tpu.memref_slice %arg7[%arg0, %mul3A_2, %dma_wait3A] : memref<2x10240x128xf32, #tpu.memory_space<hbm>> -> memref<1x640x128xf32, #tpu.memory_space<hbm>>
          %dma_wait3A_26 = tpu.memref_squeeze %dma_wait3A_25 : memref<1x640x128xf32, #tpu.memory_space<hbm>> -> memref<640x128xf32, #tpu.memory_space<hbm>>
          %dma_wait3A_27 = arith.constant 0 : i32
          %dma_wait3A_28 = tpu.memref_slice %arg13[%mul3A_2, %dma_wait3A_27] : memref<10240x128xf32, #tpu.memory_space<vmem_shared>> -> memref<640x128xf32, #tpu.memory_space<vmem_shared>>
          tpu.wait_dma2 semaphore(%run_scoped3A : memref<!tpu.dma_semaphore, #tpu.memory_space<semaphore_mem>>) src(%dma_wait3A_28 : memref<640x128xf32, #tpu.memory_space<vmem_shared>>) dst(%dma_wait3A_26 : memref<640x128xf32, #tpu.memory_space<hbm>>)
          tpu.yield
        }) : () -> ()
        %barrier3A_19 = arith.constant 0 : index
        tpu.barrier barrier_id(%barrier3A_19)
        "tpu.region"() ({
          %run_scoped3A = tpu.sem_alloc : memref<!tpu.dma_semaphore, #tpu.memory_space<semaphore_mem>>
          %dma_start3A = arith.constant 0 : i32
          %dma_start3A_21 = tpu.memref_slice %arg13[%mul3A_2, %dma_start3A] : memref<10240x128xf32, #tpu.memory_space<vmem_shared>> -> memref<640x128xf32, #tpu.memory_space<vmem_shared>>
          %dma_start3A_22 = arith.constant 0 : i32
          %dma_start3A_23 = tpu.memref_slice %arg5[%mul3A_2, %dma_start3A_22] : memref<10240x128xf32, #tpu.memory_space<hbm>> -> memref<640x128xf32, #tpu.memory_space<hbm>>
          tpu.enqueue_dma source(%dma_start3A_23 : memref<640x128xf32, #tpu.memory_space<hbm>>) target(%dma_start3A_21 : memref<640x128xf32, #tpu.memory_space<vmem_shared>>) target_semaphore(%run_scoped3A : memref<!tpu.dma_semaphore, #tpu.memory_space<semaphore_mem>>)
          %dma_wait3A = arith.constant 0 : i32
          %dma_wait3A_24 = tpu.memref_slice %arg13[%mul3A_2, %dma_wait3A] : memref<10240x128xf32, #tpu.memory_space<vmem_shared>> -> memref<640x128xf32, #tpu.memory_space<vmem_shared>>
          %dma_wait3A_25 = arith.constant 0 : i32
          %dma_wait3A_26 = tpu.memref_slice %arg5[%mul3A_2, %dma_wait3A_25] : memref<10240x128xf32, #tpu.memory_space<hbm>> -> memref<640x128xf32, #tpu.memory_space<hbm>>
          tpu.wait_dma2 semaphore(%run_scoped3A : memref<!tpu.dma_semaphore, #tpu.memory_space<semaphore_mem>>) src(%dma_wait3A_26 : memref<640x128xf32, #tpu.memory_space<hbm>>) dst(%dma_wait3A_24 : memref<640x128xf32, #tpu.memory_space<vmem_shared>>)
          tpu.yield
        }) : () -> ()
        "tpu.region"() ({
          %run_scoped3A = tpu.sem_alloc : memref<!tpu.dma_semaphore, #tpu.memory_space<semaphore_mem>>
          tpu.enqueue_dma source(%arg6 : memref<125x128xf32, #tpu.memory_space<hbm>>) target(%arg11 : memref<125x128xf32, #tpu.memory_space<vmem>>) target_semaphore(%run_scoped3A : memref<!tpu.dma_semaphore, #tpu.memory_space<semaphore_mem>>)
          tpu.wait_dma2 semaphore(%run_scoped3A : memref<!tpu.dma_semaphore, #tpu.memory_space<semaphore_mem>>) src(%arg6 : memref<125x128xf32, #tpu.memory_space<hbm>>) dst(%arg11 : memref<125x128xf32, #tpu.memory_space<vmem>>)
          tpu.yield
        }) : () -> ()
        %barrier3A_20 = arith.constant 0 : index
        tpu.barrier barrier_id(%barrier3A_20)
      } else {
      }
      %scan3A_12 = arith.constant 0 : i32
      %scan3A_13 = arith.constant 0 : i32
      %scan3A_14 = arith.constant 80 : i32
      %scan3A_15 = arith.addi %scan3A_13, %scan3A_14 : i32
      %scan3A_16 = arith.constant 1 : i32
      scf.for %scan3A_18 = %scan3A_13 to %scan3A_15 step %scan3A_16  : i32 {
        %eq3A_19 = arith.constant 0 : i32
        %eq3A_20 = arith.cmpi eq, %scan3A_9, %eq3A_19 : i32
        %convert_element_type3A_21 = arith.extui %eq3A_20 : i1 to i32
        %cond3A_22 = arith.constant 0 : i32
        %cond3A_23 = arith.cmpi ne, %convert_element_type3A_21, %cond3A_22 : i32
        scf.if %cond3A_23 {
          %dma_start3A = arith.constant 0 : i32
          %dma_start3A_24 = tpu.memref_slice %arg9[%scan3A_18, %dma_start3A] : memref<80x125xi32, #tpu.memory_space<vmem>> -> memref<1x125xi32, #tpu.memory_space<vmem>>
          %dma_start3A_25 = tpu.memref_squeeze %dma_start3A_24 : memref<1x125xi32, #tpu.memory_space<vmem>> -> memref<125xi32, #tpu.memory_space<vmem>>
          %dma_start3A_26 = arith.constant 0 : i32
          %dma_start3A_27 = arith.constant 0 : i32
          %dma_start3A_28 = tpu.memref_slice %arg2[%dma_start3A_26, %dma_start3A_27] : memref<10240x128xf32, #tpu.memory_space<hbm>> -> memref<10240x128xf32, #tpu.memory_space<hbm>>
          tpu.enqueue_indirect_dma source(%dma_start3A_28 : memref<10240x128xf32, #tpu.memory_space<hbm>>) target(%arg11 : memref<125x128xf32, #tpu.memory_space<vmem>>) offsets(%dma_start3A_25 : memref<125xi32, #tpu.memory_space<vmem>>) semaphore(%arg12 : memref<!tpu.dma_semaphore, #tpu.memory_space<semaphore_mem>>)
          %dma_wait3A = arith.constant 0 : i32
          %dma_wait3A_29 = tpu.memref_slice %arg9[%scan3A_18, %dma_wait3A] : memref<80x125xi32, #tpu.memory_space<vmem>> -> memref<1x125xi32, #tpu.memory_space<vmem>>
          %dma_wait3A_30 = tpu.memref_squeeze %dma_wait3A_29 : memref<1x125xi32, #tpu.memory_space<vmem>> -> memref<125xi32, #tpu.memory_space<vmem>>
          %dma_wait3A_31 = arith.constant 0 : i32
          %dma_wait3A_32 = arith.constant 0 : i32
          %dma_wait3A_33 = tpu.memref_slice %arg2[%dma_wait3A_31, %dma_wait3A_32] : memref<10240x128xf32, #tpu.memory_space<hbm>> -> memref<10240x128xf32, #tpu.memory_space<hbm>>
          tpu.wait_indirect_dma semaphore(%arg12 : memref<!tpu.dma_semaphore, #tpu.memory_space<semaphore_mem>>) src(%dma_wait3A_33 : memref<10240x128xf32, #tpu.memory_space<hbm>>) dst(%arg11 : memref<125x128xf32, #tpu.memory_space<vmem>>)
        } else {
        }
        "tpu.region"() ({
          %run_scoped3A = tpu.sem_alloc : memref<!tpu.dma_semaphore, #tpu.memory_space<semaphore_mem>>
          %dma_start3A = arith.constant 0 : i32
          %dma_start3A_24 = tpu.memref_slice %arg10[%scan3A_18, %dma_start3A] : memref<80x125xi32, #tpu.memory_space<vmem>> -> memref<1x125xi32, #tpu.memory_space<vmem>>
          %dma_start3A_25 = tpu.memref_squeeze %dma_start3A_24 : memref<1x125xi32, #tpu.memory_space<vmem>> -> memref<125xi32, #tpu.memory_space<vmem>>
          %dma_start3A_26 = arith.constant 0 : i32
          %dma_start3A_27 = arith.constant 0 : i32
          %dma_start3A_28 = tpu.memref_slice %arg13[%dma_start3A_26, %dma_start3A_27] : memref<10240x128xf32, #tpu.memory_space<vmem_shared>> -> memref<10240x128xf32, #tpu.memory_space<vmem_shared>>
          tpu.enqueue_indirect_dma source(%arg11 : memref<125x128xf32, #tpu.memory_space<vmem>>) target(%dma_start3A_28 : memref<10240x128xf32, #tpu.memory_space<vmem_shared>>) offsets(%dma_start3A_25 : memref<125xi32, #tpu.memory_space<vmem>>) semaphore(%run_scoped3A : memref<!tpu.dma_semaphore, #tpu.memory_space<semaphore_mem>>) {add = true}
          %dma_wait3A = arith.constant 0 : i32
          %dma_wait3A_29 = tpu.memref_slice %arg10[%scan3A_18, %dma_wait3A] : memref<80x125xi32, #tpu.memory_space<vmem>> -> memref<1x125xi32, #tpu.memory_space<vmem>>
          %dma_wait3A_30 = tpu.memref_squeeze %dma_wait3A_29 : memref<1x125xi32, #tpu.memory_space<vmem>> -> memref<125xi32, #tpu.memory_space<vmem>>
          %dma_wait3A_31 = arith.constant 0 : i32
          %dma_wait3A_32 = arith.constant 0 : i32
          %dma_wait3A_33 = tpu.memref_slice %arg13[%dma_wait3A_31, %dma_wait3A_32] : memref<10240x128xf32, #tpu.memory_space<vmem_shared>> -> memref<10240x128xf32, #tpu.memory_space<vmem_shared>>
          tpu.wait_indirect_dma semaphore(%run_scoped3A : memref<!tpu.dma_semaphore, #tpu.memory_space<semaphore_mem>>) src(%arg11 : memref<125x128xf32, #tpu.memory_space<vmem>>) dst(%dma_wait3A_33 : memref<10240x128xf32, #tpu.memory_space<vmem_shared>>)
          tpu.yield
        }) : () -> ()
      }
      %scan3A_17 = arith.constant 80 : i32
    }
    %scan3A_7 = arith.constant 2 : i32
    %barrier3A_8 = arith.constant 0 : index
    tpu.barrier barrier_id(%barrier3A_8)
    "tpu.region"() ({
      %run_scoped3A = tpu.sem_alloc : memref<!tpu.dma_semaphore, #tpu.memory_space<semaphore_mem>>
      %dma_start3A = arith.constant 0 : i32
      %dma_start3A_9 = tpu.memref_slice %arg8[%arg0, %mul3A_2, %dma_start3A] : memref<2x10240x128xf32, #tpu.memory_space<hbm>> -> memref<1x640x128xf32, #tpu.memory_space<hbm>>
      %dma_start3A_10 = tpu.memref_squeeze %dma_start3A_9 : memref<1x640x128xf32, #tpu.memory_space<hbm>> -> memref<640x128xf32, #tpu.memory_space<hbm>>
      %dma_start3A_11 = arith.constant 0 : i32
      %dma_start3A_12 = tpu.memref_slice %arg13[%mul3A_2, %dma_start3A_11] : memref<10240x128xf32, #tpu.memory_space<vmem_shared>> -> memref<640x128xf32, #tpu.memory_space<vmem_shared>>
      tpu.enqueue_dma source(%dma_start3A_12 : memref<640x128xf32, #tpu.memory_space<vmem_shared>>) target(%dma_start3A_10 : memref<640x128xf32, #tpu.memory_space<hbm>>) target_semaphore(%run_scoped3A : memref<!tpu.dma_semaphore, #tpu.memory_space<semaphore_mem>>)
      %dma_wait3A = arith.constant 0 : i32
      %dma_wait3A_13 = tpu.memref_slice %arg8[%arg0, %mul3A_2, %dma_wait3A] : memref<2x10240x128xf32, #tpu.memory_space<hbm>> -> memref<1x640x128xf32, #tpu.memory_space<hbm>>
      %dma_wait3A_14 = tpu.memref_squeeze %dma_wait3A_13 : memref<1x640x128xf32, #tpu.memory_space<hbm>> -> memref<640x128xf32, #tpu.memory_space<hbm>>
      %dma_wait3A_15 = arith.constant 0 : i32
      %dma_wait3A_16 = tpu.memref_slice %arg13[%mul3A_2, %dma_wait3A_15] : memref<10240x128xf32, #tpu.memory_space<vmem_shared>> -> memref<640x128xf32, #tpu.memory_space<vmem_shared>>
      tpu.wait_dma2 semaphore(%run_scoped3A : memref<!tpu.dma_semaphore, #tpu.memory_space<semaphore_mem>>) src(%dma_wait3A_16 : memref<640x128xf32, #tpu.memory_space<vmem_shared>>) dst(%dma_wait3A_14 : memref<640x128xf32, #tpu.memory_space<hbm>>)
      tpu.yield
    }) : () -> ()
    return
  }
}

#map = affine_map<(d0, d1) -> (0, 0)>
#map1 = affine_map<(d0, d1) -> (0, 0, 0)>
module attributes {stable_mosaic.version = 14 : i64} {
  func.func @_sc_agg_body(%arg0: i32, %arg1: i32, %arg2: memref<10240x128xf32, #tpu.memory_space<hbm>>, %arg3: memref<32x80x125xi32, #tpu.memory_space<hbm>>, %arg4: memref<32x80x125xi32, #tpu.memory_space<hbm>>, %arg5: memref<10240x128xf32, #tpu.memory_space<hbm>>, %arg6: memref<2x10240x128xf32, #tpu.memory_space<hbm>>, %arg7: memref<80x125xi32, #tpu.memory_space<vmem>>, %arg8: memref<80x125xi32, #tpu.memory_space<vmem>>, %arg9: memref<125x128xf32, #tpu.memory_space<vmem>>, %arg10: memref<!tpu.dma_semaphore, #tpu.memory_space<semaphore_mem>>, %arg11: memref<10240x128xf32, #tpu.memory_space<vmem_shared>>) attributes {dimension_semantics = [#tpu.dimension_semantics<core_parallel>, #tpu.dimension_semantics<subcore_parallel>], iteration_bounds = array<i64: 2, 16>, scalar_prefetch = 0 : i64, scratch_operands = 5 : i64, tpu.core_type = #tpu.core_type<sc_vector_subcore>, window_params = [{transform_indices = #map}, {transform_indices = #map1}, {transform_indices = #map1}, {transform_indices = #map}, {transform_indices = #map1}]} {
    %mul3A = arith.constant 16 : i32
    %mul3A_0 = arith.muli %arg0, %mul3A : i32
    %add3A = arith.addi %mul3A_0, %arg1 : i32
    %mul3A_1 = arith.constant 640 : i32
    %mul3A_2 = arith.muli %arg1, %mul3A_1 : i32
    "tpu.region"() ({
      %run_scoped3A = tpu.sem_alloc : memref<!tpu.dma_semaphore, #tpu.memory_space<semaphore_mem>>
      %dma_start3A = arith.constant 0 : i32
      %dma_start3A_9 = tpu.memref_slice %arg11[%mul3A_2, %dma_start3A] : memref<10240x128xf32, #tpu.memory_space<vmem_shared>> -> memref<640x128xf32, #tpu.memory_space<vmem_shared>>
      %dma_start3A_10 = arith.constant 0 : i32
      %dma_start3A_11 = tpu.memref_slice %arg5[%mul3A_2, %dma_start3A_10] : memref<10240x128xf32, #tpu.memory_space<hbm>> -> memref<640x128xf32, #tpu.memory_space<hbm>>
      tpu.enqueue_dma source(%dma_start3A_11 : memref<640x128xf32, #tpu.memory_space<hbm>>) target(%dma_start3A_9 : memref<640x128xf32, #tpu.memory_space<vmem_shared>>) target_semaphore(%run_scoped3A : memref<!tpu.dma_semaphore, #tpu.memory_space<semaphore_mem>>)
      %dma_wait3A = arith.constant 0 : i32
      %dma_wait3A_12 = tpu.memref_slice %arg11[%mul3A_2, %dma_wait3A] : memref<10240x128xf32, #tpu.memory_space<vmem_shared>> -> memref<640x128xf32, #tpu.memory_space<vmem_shared>>
      %dma_wait3A_13 = arith.constant 0 : i32
      %dma_wait3A_14 = tpu.memref_slice %arg5[%mul3A_2, %dma_wait3A_13] : memref<10240x128xf32, #tpu.memory_space<hbm>> -> memref<640x128xf32, #tpu.memory_space<hbm>>
      tpu.wait_dma2 semaphore(%run_scoped3A : memref<!tpu.dma_semaphore, #tpu.memory_space<semaphore_mem>>) src(%dma_wait3A_14 : memref<640x128xf32, #tpu.memory_space<hbm>>) dst(%dma_wait3A_12 : memref<640x128xf32, #tpu.memory_space<vmem_shared>>)
      tpu.yield
    }) : () -> ()
    "tpu.region"() ({
      %run_scoped3A = tpu.sem_alloc : memref<!tpu.dma_semaphore, #tpu.memory_space<semaphore_mem>>
      %dma_start3A = arith.constant 0 : i32
      %dma_start3A_9 = arith.constant 0 : i32
      %dma_start3A_10 = tpu.memref_slice %arg3[%add3A, %dma_start3A, %dma_start3A_9] : memref<32x80x125xi32, #tpu.memory_space<hbm>> -> memref<1x80x125xi32, #tpu.memory_space<hbm>>
      %dma_start3A_11 = tpu.memref_squeeze %dma_start3A_10 : memref<1x80x125xi32, #tpu.memory_space<hbm>> -> memref<80x125xi32, #tpu.memory_space<hbm>>
      %dma_start3A_12 = arith.constant 0 : i32
      %dma_start3A_13 = arith.constant 0 : i32
      %dma_start3A_14 = tpu.memref_slice %arg3[%add3A, %dma_start3A_12, %dma_start3A_13] : memref<32x80x125xi32, #tpu.memory_space<hbm>> -> memref<1x80x125xi32, #tpu.memory_space<hbm>>
      %dma_start3A_15 = tpu.memref_squeeze %dma_start3A_14 : memref<1x80x125xi32, #tpu.memory_space<hbm>> -> memref<80x125xi32, #tpu.memory_space<hbm>>
      tpu.enqueue_dma source(%dma_start3A_15 : memref<80x125xi32, #tpu.memory_space<hbm>>) target(%arg7 : memref<80x125xi32, #tpu.memory_space<vmem>>) target_semaphore(%run_scoped3A : memref<!tpu.dma_semaphore, #tpu.memory_space<semaphore_mem>>)
      %dma_wait3A = arith.constant 0 : i32
      %dma_wait3A_16 = arith.constant 0 : i32
      %dma_wait3A_17 = tpu.memref_slice %arg3[%add3A, %dma_wait3A, %dma_wait3A_16] : memref<32x80x125xi32, #tpu.memory_space<hbm>> -> memref<1x80x125xi32, #tpu.memory_space<hbm>>
      %dma_wait3A_18 = tpu.memref_squeeze %dma_wait3A_17 : memref<1x80x125xi32, #tpu.memory_space<hbm>> -> memref<80x125xi32, #tpu.memory_space<hbm>>
      %dma_wait3A_19 = arith.constant 0 : i32
      %dma_wait3A_20 = arith.constant 0 : i32
      %dma_wait3A_21 = tpu.memref_slice %arg3[%add3A, %dma_wait3A_19, %dma_wait3A_20] : memref<32x80x125xi32, #tpu.memory_space<hbm>> -> memref<1x80x125xi32, #tpu.memory_space<hbm>>
      %dma_wait3A_22 = tpu.memref_squeeze %dma_wait3A_21 : memref<1x80x125xi32, #tpu.memory_space<hbm>> -> memref<80x125xi32, #tpu.memory_space<hbm>>
      tpu.wait_dma2 semaphore(%run_scoped3A : memref<!tpu.dma_semaphore, #tpu.memory_space<semaphore_mem>>) src(%dma_wait3A_22 : memref<80x125xi32, #tpu.memory_space<hbm>>) dst(%arg7 : memref<80x125xi32, #tpu.memory_space<vmem>>)
      tpu.yield
    }) : () -> ()
    "tpu.region"() ({
      %run_scoped3A = tpu.sem_alloc : memref<!tpu.dma_semaphore, #tpu.memory_space<semaphore_mem>>
      %dma_start3A = arith.constant 0 : i32
      %dma_start3A_9 = arith.constant 0 : i32
      %dma_start3A_10 = tpu.memref_slice %arg4[%add3A, %dma_start3A, %dma_start3A_9] : memref<32x80x125xi32, #tpu.memory_space<hbm>> -> memref<1x80x125xi32, #tpu.memory_space<hbm>>
      %dma_start3A_11 = tpu.memref_squeeze %dma_start3A_10 : memref<1x80x125xi32, #tpu.memory_space<hbm>> -> memref<80x125xi32, #tpu.memory_space<hbm>>
      %dma_start3A_12 = arith.constant 0 : i32
      %dma_start3A_13 = arith.constant 0 : i32
      %dma_start3A_14 = tpu.memref_slice %arg4[%add3A, %dma_start3A_12, %dma_start3A_13] : memref<32x80x125xi32, #tpu.memory_space<hbm>> -> memref<1x80x125xi32, #tpu.memory_space<hbm>>
      %dma_start3A_15 = tpu.memref_squeeze %dma_start3A_14 : memref<1x80x125xi32, #tpu.memory_space<hbm>> -> memref<80x125xi32, #tpu.memory_space<hbm>>
      tpu.enqueue_dma source(%dma_start3A_15 : memref<80x125xi32, #tpu.memory_space<hbm>>) target(%arg8 : memref<80x125xi32, #tpu.memory_space<vmem>>) target_semaphore(%run_scoped3A : memref<!tpu.dma_semaphore, #tpu.memory_space<semaphore_mem>>)
      %dma_wait3A = arith.constant 0 : i32
      %dma_wait3A_16 = arith.constant 0 : i32
      %dma_wait3A_17 = tpu.memref_slice %arg4[%add3A, %dma_wait3A, %dma_wait3A_16] : memref<32x80x125xi32, #tpu.memory_space<hbm>> -> memref<1x80x125xi32, #tpu.memory_space<hbm>>
      %dma_wait3A_18 = tpu.memref_squeeze %dma_wait3A_17 : memref<1x80x125xi32, #tpu.memory_space<hbm>> -> memref<80x125xi32, #tpu.memory_space<hbm>>
      %dma_wait3A_19 = arith.constant 0 : i32
      %dma_wait3A_20 = arith.constant 0 : i32
      %dma_wait3A_21 = tpu.memref_slice %arg4[%add3A, %dma_wait3A_19, %dma_wait3A_20] : memref<32x80x125xi32, #tpu.memory_space<hbm>> -> memref<1x80x125xi32, #tpu.memory_space<hbm>>
      %dma_wait3A_22 = tpu.memref_squeeze %dma_wait3A_21 : memref<1x80x125xi32, #tpu.memory_space<hbm>> -> memref<80x125xi32, #tpu.memory_space<hbm>>
      tpu.wait_dma2 semaphore(%run_scoped3A : memref<!tpu.dma_semaphore, #tpu.memory_space<semaphore_mem>>) src(%dma_wait3A_22 : memref<80x125xi32, #tpu.memory_space<hbm>>) dst(%arg8 : memref<80x125xi32, #tpu.memory_space<vmem>>)
      tpu.yield
    }) : () -> ()
    %barrier3A = arith.constant 0 : index
    tpu.barrier barrier_id(%barrier3A)
    %scan3A = arith.constant 0 : i32
    %scan3A_3 = arith.constant 0 : i32
    %scan3A_4 = arith.constant 80 : i32
    %scan3A_5 = arith.addi %scan3A_3, %scan3A_4 : i32
    %scan3A_6 = arith.constant 1 : i32
    scf.for %scan3A_9 = %scan3A_3 to %scan3A_5 step %scan3A_6  : i32 {
      %dma_start3A = arith.constant 0 : i32
      %dma_start3A_10 = tpu.memref_slice %arg7[%scan3A_9, %dma_start3A] : memref<80x125xi32, #tpu.memory_space<vmem>> -> memref<1x125xi32, #tpu.memory_space<vmem>>
      %dma_start3A_11 = tpu.memref_squeeze %dma_start3A_10 : memref<1x125xi32, #tpu.memory_space<vmem>> -> memref<125xi32, #tpu.memory_space<vmem>>
      %dma_start3A_12 = arith.constant 0 : i32
      %dma_start3A_13 = arith.constant 0 : i32
      %dma_start3A_14 = tpu.memref_slice %arg2[%dma_start3A_12, %dma_start3A_13] : memref<10240x128xf32, #tpu.memory_space<hbm>> -> memref<10240x128xf32, #tpu.memory_space<hbm>>
      tpu.enqueue_indirect_dma source(%dma_start3A_14 : memref<10240x128xf32, #tpu.memory_space<hbm>>) target(%arg9 : memref<125x128xf32, #tpu.memory_space<vmem>>) offsets(%dma_start3A_11 : memref<125xi32, #tpu.memory_space<vmem>>) semaphore(%arg10 : memref<!tpu.dma_semaphore, #tpu.memory_space<semaphore_mem>>)
      %dma_wait3A = arith.constant 0 : i32
      %dma_wait3A_15 = tpu.memref_slice %arg7[%scan3A_9, %dma_wait3A] : memref<80x125xi32, #tpu.memory_space<vmem>> -> memref<1x125xi32, #tpu.memory_space<vmem>>
      %dma_wait3A_16 = tpu.memref_squeeze %dma_wait3A_15 : memref<1x125xi32, #tpu.memory_space<vmem>> -> memref<125xi32, #tpu.memory_space<vmem>>
      %dma_wait3A_17 = arith.constant 0 : i32
      %dma_wait3A_18 = arith.constant 0 : i32
      %dma_wait3A_19 = tpu.memref_slice %arg2[%dma_wait3A_17, %dma_wait3A_18] : memref<10240x128xf32, #tpu.memory_space<hbm>> -> memref<10240x128xf32, #tpu.memory_space<hbm>>
      tpu.wait_indirect_dma semaphore(%arg10 : memref<!tpu.dma_semaphore, #tpu.memory_space<semaphore_mem>>) src(%dma_wait3A_19 : memref<10240x128xf32, #tpu.memory_space<hbm>>) dst(%arg9 : memref<125x128xf32, #tpu.memory_space<vmem>>)
      "tpu.region"() ({
        %run_scoped3A = tpu.sem_alloc : memref<!tpu.dma_semaphore, #tpu.memory_space<semaphore_mem>>
        %dma_start3A_20 = arith.constant 0 : i32
        %dma_start3A_21 = tpu.memref_slice %arg8[%scan3A_9, %dma_start3A_20] : memref<80x125xi32, #tpu.memory_space<vmem>> -> memref<1x125xi32, #tpu.memory_space<vmem>>
        %dma_start3A_22 = tpu.memref_squeeze %dma_start3A_21 : memref<1x125xi32, #tpu.memory_space<vmem>> -> memref<125xi32, #tpu.memory_space<vmem>>
        %dma_start3A_23 = arith.constant 0 : i32
        %dma_start3A_24 = arith.constant 0 : i32
        %dma_start3A_25 = tpu.memref_slice %arg11[%dma_start3A_23, %dma_start3A_24] : memref<10240x128xf32, #tpu.memory_space<vmem_shared>> -> memref<10240x128xf32, #tpu.memory_space<vmem_shared>>
        tpu.enqueue_indirect_dma source(%arg9 : memref<125x128xf32, #tpu.memory_space<vmem>>) target(%dma_start3A_25 : memref<10240x128xf32, #tpu.memory_space<vmem_shared>>) offsets(%dma_start3A_22 : memref<125xi32, #tpu.memory_space<vmem>>) semaphore(%run_scoped3A : memref<!tpu.dma_semaphore, #tpu.memory_space<semaphore_mem>>) {add = true}
        %dma_wait3A_26 = arith.constant 0 : i32
        %dma_wait3A_27 = tpu.memref_slice %arg8[%scan3A_9, %dma_wait3A_26] : memref<80x125xi32, #tpu.memory_space<vmem>> -> memref<1x125xi32, #tpu.memory_space<vmem>>
        %dma_wait3A_28 = tpu.memref_squeeze %dma_wait3A_27 : memref<1x125xi32, #tpu.memory_space<vmem>> -> memref<125xi32, #tpu.memory_space<vmem>>
        %dma_wait3A_29 = arith.constant 0 : i32
        %dma_wait3A_30 = arith.constant 0 : i32
        %dma_wait3A_31 = tpu.memref_slice %arg11[%dma_wait3A_29, %dma_wait3A_30] : memref<10240x128xf32, #tpu.memory_space<vmem_shared>> -> memref<10240x128xf32, #tpu.memory_space<vmem_shared>>
        tpu.wait_indirect_dma semaphore(%run_scoped3A : memref<!tpu.dma_semaphore, #tpu.memory_space<semaphore_mem>>) src(%arg9 : memref<125x128xf32, #tpu.memory_space<vmem>>) dst(%dma_wait3A_31 : memref<10240x128xf32, #tpu.memory_space<vmem_shared>>)
        tpu.yield
      }) : () -> ()
    }
    %scan3A_7 = arith.constant 80 : i32
    %barrier3A_8 = arith.constant 0 : index
    tpu.barrier barrier_id(%barrier3A_8)
    "tpu.region"() ({
      %run_scoped3A = tpu.sem_alloc : memref<!tpu.dma_semaphore, #tpu.memory_space<semaphore_mem>>
      %dma_start3A = arith.constant 0 : i32
      %dma_start3A_9 = tpu.memref_slice %arg6[%arg0, %mul3A_2, %dma_start3A] : memref<2x10240x128xf32, #tpu.memory_space<hbm>> -> memref<1x640x128xf32, #tpu.memory_space<hbm>>
      %dma_start3A_10 = tpu.memref_squeeze %dma_start3A_9 : memref<1x640x128xf32, #tpu.memory_space<hbm>> -> memref<640x128xf32, #tpu.memory_space<hbm>>
      %dma_start3A_11 = arith.constant 0 : i32
      %dma_start3A_12 = tpu.memref_slice %arg11[%mul3A_2, %dma_start3A_11] : memref<10240x128xf32, #tpu.memory_space<vmem_shared>> -> memref<640x128xf32, #tpu.memory_space<vmem_shared>>
      tpu.enqueue_dma source(%dma_start3A_12 : memref<640x128xf32, #tpu.memory_space<vmem_shared>>) target(%dma_start3A_10 : memref<640x128xf32, #tpu.memory_space<hbm>>) target_semaphore(%run_scoped3A : memref<!tpu.dma_semaphore, #tpu.memory_space<semaphore_mem>>)
      %dma_wait3A = arith.constant 0 : i32
      %dma_wait3A_13 = tpu.memref_slice %arg6[%arg0, %mul3A_2, %dma_wait3A] : memref<2x10240x128xf32, #tpu.memory_space<hbm>> -> memref<1x640x128xf32, #tpu.memory_space<hbm>>
      %dma_wait3A_14 = tpu.memref_squeeze %dma_wait3A_13 : memref<1x640x128xf32, #tpu.memory_space<hbm>> -> memref<640x128xf32, #tpu.memory_space<hbm>>
      %dma_wait3A_15 = arith.constant 0 : i32
      %dma_wait3A_16 = tpu.memref_slice %arg11[%mul3A_2, %dma_wait3A_15] : memref<10240x128xf32, #tpu.memory_space<vmem_shared>> -> memref<640x128xf32, #tpu.memory_space<vmem_shared>>
      tpu.wait_dma2 semaphore(%run_scoped3A : memref<!tpu.dma_semaphore, #tpu.memory_space<semaphore_mem>>) src(%dma_wait3A_16 : memref<640x128xf32, #tpu.memory_space<vmem_shared>>) dst(%dma_wait3A_14 : memref<640x128xf32, #tpu.memory_space<hbm>>)
      tpu.yield
    }) : () -> ()
    return
  }
}

module attributes {stable_mosaic.version = 14 : i64} {
  func.func @_combine_body(%arg0: i32, %arg1: memref<1024x128xf32, #tpu.memory_space<vmem>>, %arg2: memref<2x1024x128xf32, #tpu.memory_space<vmem>>, %arg3: memref<2x1024x128xf32, #tpu.memory_space<vmem>>, %arg4: memref<128x128xf32, #tpu.memory_space<vmem>>, %arg5: memref<128x128xf32, #tpu.memory_space<vmem>>, %arg6: memref<1024x128xf32, #tpu.memory_space<vmem>>) attributes {dimension_semantics = [#tpu.dimension_semantics<arbitrary>], iteration_bounds = array<i64: 10>, scalar_prefetch = 0 : i64, scratch_operands = 0 : i64, tpu.core_type = #tpu.core_type<tc>, window_params = [{transform_indices = @transform_0, window_bounds = array<i64: 1024, 128>}, {transform_indices = @transform_1, window_bounds = array<i64: 2, 1024, 128>}, {transform_indices = @transform_2, window_bounds = array<i64: 2, 1024, 128>}, {pipeline_mode = #tpu.pipeline_mode<synchronous>, transform_indices = @transform_3, window_bounds = array<i64: 128, 128>}, {pipeline_mode = #tpu.pipeline_mode<synchronous>, transform_indices = @transform_4, window_bounds = array<i64: 128, 128>}, {transform_indices = @transform_5, window_bounds = array<i64: 1024, 128>}]} {
    %get3A = arith.constant 0 : index
    %get3A_0 = arith.constant 0 : index
    %get3A_1 = arith.constant 0 : index
    %get3A_2 = vector.load %arg2[%get3A, %get3A_0, %get3A_1] : memref<2x1024x128xf32, #tpu.memory_space<vmem>>, vector<1x1024x128xf32>
    %get3A_3 = vector.shape_cast %get3A_2 : vector<1x1024x128xf32> to vector<1024x128xf32>
    %get3A_4 = arith.constant 1 : index
    %get3A_5 = arith.constant 0 : index
    %get3A_6 = arith.constant 0 : index
    %get3A_7 = vector.load %arg2[%get3A_4, %get3A_5, %get3A_6] : memref<2x1024x128xf32, #tpu.memory_space<vmem>>, vector<1x1024x128xf32>
    %get3A_8 = vector.shape_cast %get3A_7 : vector<1x1024x128xf32> to vector<1024x128xf32>
    %add3A = arith.addf %get3A_3, %get3A_8 : vector<1024x128xf32>
    %get3A_9 = arith.constant 0 : index
    %get3A_10 = arith.constant 0 : index
    %get3A_11 = arith.constant 0 : index
    %get3A_12 = vector.load %arg3[%get3A_9, %get3A_10, %get3A_11] : memref<2x1024x128xf32, #tpu.memory_space<vmem>>, vector<1x1024x1xf32>
    %get3A_13 = vector.shape_cast %get3A_12 : vector<1x1024x1xf32> to vector<1024x1xf32>
    %get3A_14 = arith.constant 1 : index
    %get3A_15 = arith.constant 0 : index
    %get3A_16 = arith.constant 0 : index
    %get3A_17 = vector.load %arg3[%get3A_14, %get3A_15, %get3A_16] : memref<2x1024x128xf32, #tpu.memory_space<vmem>>, vector<1x1024x1xf32>
    %get3A_18 = vector.shape_cast %get3A_17 : vector<1x1024x1xf32> to vector<1024x1xf32>
    %add3A_19 = arith.addf %get3A_13, %get3A_18 : vector<1024x1xf32>
    %max3A = arith.constant 1.000000e+00 : f32
    %max3A_20 = vector.broadcast %max3A : f32 to vector<1024x1xf32>
    %max3A_21 = arith.maximumf %add3A_19, %max3A_20 : vector<1024x1xf32>
    %div3A = vector.broadcast %max3A_21 : vector<1024x1xf32> to vector<1024x128xf32>
    %div3A_22 = arith.divf %add3A, %div3A : vector<1024x128xf32>
    %get3A_23 = arith.constant 0 : index
    %get3A_24 = arith.constant 0 : index
    %get3A_25 = vector.load %arg1[%get3A_23, %get3A_24] : memref<1024x128xf32, #tpu.memory_space<vmem>>, vector<1024x128xf32>
    %get3A_26 = arith.constant 0 : index
    %get3A_27 = arith.constant 0 : index
    %get3A_28 = vector.load %arg4[%get3A_26, %get3A_27] : memref<128x128xf32, #tpu.memory_space<vmem>>, vector<128x128xf32>
    %dot_general3A = arith.constant dense<0.000000e+00> : vector<1024x128xf32>
    %dot_general3A_29 = tpu.matmul %get3A_25, %get3A_28, %dot_general3A {dimension_numbers = #tpu.dot_dimension_numbers<[1], [0], [0], [1], [0, 0, 1, 1], [], []>, precision = #tpu.contract_precision<fp32>, transpose_lhs_hint = false} : vector<1024x128xf32>, vector<128x128xf32>, vector<1024x128xf32> -> vector<1024x128xf32>
    %get3A_30 = arith.constant 0 : index
    %get3A_31 = arith.constant 0 : index
    %get3A_32 = vector.load %arg5[%get3A_30, %get3A_31] : memref<128x128xf32, #tpu.memory_space<vmem>>, vector<128x128xf32>
    %dot_general3A_33 = arith.constant dense<0.000000e+00> : vector<1024x128xf32>
    %dot_general3A_34 = tpu.matmul %div3A_22, %get3A_32, %dot_general3A_33 {dimension_numbers = #tpu.dot_dimension_numbers<[1], [0], [0], [1], [0, 0, 1, 1], [], []>, precision = #tpu.contract_precision<fp32>, transpose_lhs_hint = false} : vector<1024x128xf32>, vector<128x128xf32>, vector<1024x128xf32> -> vector<1024x128xf32>
    %add3A_35 = arith.addf %dot_general3A_29, %dot_general3A_34 : vector<1024x128xf32>
    %ge3A = arith.constant 0.000000e+00 : f32
    %ge3A_36 = vector.broadcast %ge3A : f32 to vector<1024x128xf32>
    %ge3A_37 = arith.cmpf oge, %add3A_35, %ge3A_36 : vector<1024x128xf32>
    %mul3A = arith.constant 0.00999999977 : f32
    %mul3A_38 = vector.broadcast %mul3A : f32 to vector<1024x128xf32>
    %mul3A_39 = arith.mulf %mul3A_38, %add3A_35 : vector<1024x128xf32>
    %select_n3A = arith.select %ge3A_37, %add3A_35, %mul3A_39 : vector<1024x128xi1>, vector<1024x128xf32>
    %swap3A = arith.constant 0 : index
    %swap3A_40 = arith.constant 0 : index
    %swap3A_41 = vector.load %arg6[%swap3A, %swap3A_40] : memref<1024x128xf32, #tpu.memory_space<vmem>>, vector<1024x128xf32>
    tpu.vector_store %arg6[%swap3A, %swap3A_40], %select_n3A {strides = array<i32>} : memref<1024x128xf32, #tpu.memory_space<vmem>>, vector<1024x128xf32>,
    return
  }
  func.func @transform_0(%arg0: i32) -> (i32, i32) {
    %c0_i32 = arith.constant 0 : i32
    %c0_i32_0 = arith.constant 0 : i32
    return %arg0, %c0_i32 : i32, i32
  }
  func.func @transform_1(%arg0: i32) -> (i32, i32, i32) {
    %c0_i32 = arith.constant 0 : i32
    %c0_i32_0 = arith.constant 0 : i32
    %c0_i32_1 = arith.constant 0 : i32
    return %c0_i32, %arg0, %c0_i32_0 : i32, i32, i32
  }
  func.func @transform_2(%arg0: i32) -> (i32, i32, i32) {
    %c0_i32 = arith.constant 0 : i32
    %c0_i32_0 = arith.constant 0 : i32
    %c0_i32_1 = arith.constant 0 : i32
    return %c0_i32, %arg0, %c0_i32_0 : i32, i32, i32
  }
  func.func @transform_3(%arg0: i32) -> (i32, i32) {
    %c0_i32 = arith.constant 0 : i32
    %c0_i32_0 = arith.constant 0 : i32
    %c0_i32_1 = arith.constant 0 : i32
    return %c0_i32, %c0_i32_0 : i32, i32
  }
  func.func @transform_4(%arg0: i32) -> (i32, i32) {
    %c0_i32 = arith.constant 0 : i32
    %c0_i32_0 = arith.constant 0 : i32
    %c0_i32_1 = arith.constant 0 : i32
    return %c0_i32, %c0_i32_0 : i32, i32
  }
  func.func @transform_5(%arg0: i32) -> (i32, i32) {
    %c0_i32 = arith.constant 0 : i32
    %c0_i32_0 = arith.constant 0 : i32
    return %arg0, %c0_i32 : i32, i32
  }
}

module attributes {stable_mosaic.version = 14 : i64} {
  func.func @_final_body(%arg0: i32, %arg1: memref<1024x128xf32, #tpu.memory_space<vmem>>, %arg2: memref<2x1024x128xf32, #tpu.memory_space<vmem>>, %arg3: memref<2x1024x128xf32, #tpu.memory_space<vmem>>, %arg4: memref<128x128xf32, #tpu.memory_space<vmem>>, %arg5: memref<128x128xf32, #tpu.memory_space<vmem>>, %arg6: memref<1x1x1024xi32, #tpu.memory_space<vmem>>, %arg7: memref<128x64xf32, #tpu.memory_space<vmem>>, %arg8: memref<1x64xf32, #tpu.memory_space<vmem>>, %arg9: memref<64x2xf32, #tpu.memory_space<vmem>>, %arg10: memref<1x2xf32, #tpu.memory_space<vmem>>, %arg11: memref<64x2xf32, #tpu.memory_space<vmem>>, %arg12: memref<64x128xf32, #tpu.memory_space<vmem>>, %arg13: memref<64x128xf32, #tpu.memory_space<vmem>>) attributes {dimension_semantics = [#tpu.dimension_semantics<arbitrary>], iteration_bounds = array<i64: 10>, scalar_prefetch = 0 : i64, scratch_operands = 2 : i64, tpu.core_type = #tpu.core_type<tc>, window_params = [{transform_indices = @transform_0, window_bounds = array<i64: 1024, 128>}, {transform_indices = @transform_1, window_bounds = array<i64: 2, 1024, 128>}, {transform_indices = @transform_2, window_bounds = array<i64: 2, 1024, 128>}, {pipeline_mode = #tpu.pipeline_mode<synchronous>, transform_indices = @transform_3, window_bounds = array<i64: 128, 128>}, {pipeline_mode = #tpu.pipeline_mode<synchronous>, transform_indices = @transform_4, window_bounds = array<i64: 128, 128>}, {transform_indices = @transform_5, window_bounds = array<i64: 1, 1, 1024>}, {pipeline_mode = #tpu.pipeline_mode<synchronous>, transform_indices = @transform_6, window_bounds = array<i64: 128, 64>}, {pipeline_mode = #tpu.pipeline_mode<synchronous>, transform_indices = @transform_7, window_bounds = array<i64: 1, 64>}, {pipeline_mode = #tpu.pipeline_mode<synchronous>, transform_indices = @transform_8, window_bounds = array<i64: 64, 2>}, {pipeline_mode = #tpu.pipeline_mode<synchronous>, transform_indices = @transform_9, window_bounds = array<i64: 1, 2>}, {pipeline_mode = #tpu.pipeline_mode<synchronous>, transform_indices = @transform_10, window_bounds = array<i64: 64, 2>}]} {
    %get3A = arith.constant 0 : index
    %get3A_0 = arith.constant 0 : index
    %get3A_1 = arith.constant 0 : index
    %get3A_2 = vector.load %arg2[%get3A, %get3A_0, %get3A_1] : memref<2x1024x128xf32, #tpu.memory_space<vmem>>, vector<1x1024x128xf32>
    %get3A_3 = vector.shape_cast %get3A_2 : vector<1x1024x128xf32> to vector<1024x128xf32>
    %get3A_4 = arith.constant 1 : index
    %get3A_5 = arith.constant 0 : index
    %get3A_6 = arith.constant 0 : index
    %get3A_7 = vector.load %arg2[%get3A_4, %get3A_5, %get3A_6] : memref<2x1024x128xf32, #tpu.memory_space<vmem>>, vector<1x1024x128xf32>
    %get3A_8 = vector.shape_cast %get3A_7 : vector<1x1024x128xf32> to vector<1024x128xf32>
    %add3A = arith.addf %get3A_3, %get3A_8 : vector<1024x128xf32>
    %get3A_9 = arith.constant 0 : index
    %get3A_10 = arith.constant 0 : index
    %get3A_11 = arith.constant 0 : index
    %get3A_12 = vector.load %arg3[%get3A_9, %get3A_10, %get3A_11] : memref<2x1024x128xf32, #tpu.memory_space<vmem>>, vector<1x1024x1xf32>
    %get3A_13 = vector.shape_cast %get3A_12 : vector<1x1024x1xf32> to vector<1024x1xf32>
    %get3A_14 = arith.constant 1 : index
    %get3A_15 = arith.constant 0 : index
    %get3A_16 = arith.constant 0 : index
    %get3A_17 = vector.load %arg3[%get3A_14, %get3A_15, %get3A_16] : memref<2x1024x128xf32, #tpu.memory_space<vmem>>, vector<1x1024x1xf32>
    %get3A_18 = vector.shape_cast %get3A_17 : vector<1x1024x1xf32> to vector<1024x1xf32>
    %add3A_19 = arith.addf %get3A_13, %get3A_18 : vector<1024x1xf32>
    %max3A = arith.constant 1.000000e+00 : f32
    %max3A_20 = vector.broadcast %max3A : f32 to vector<1024x1xf32>
    %max3A_21 = arith.maximumf %add3A_19, %max3A_20 : vector<1024x1xf32>
    %div3A = vector.broadcast %max3A_21 : vector<1024x1xf32> to vector<1024x128xf32>
    %div3A_22 = arith.divf %add3A, %div3A : vector<1024x128xf32>
    %get3A_23 = arith.constant 0 : index
    %get3A_24 = arith.constant 0 : index
    %get3A_25 = vector.load %arg1[%get3A_23, %get3A_24] : memref<1024x128xf32, #tpu.memory_space<vmem>>, vector<1024x128xf32>
    %get3A_26 = arith.constant 0 : index
    %get3A_27 = arith.constant 0 : index
    %get3A_28 = vector.load %arg4[%get3A_26, %get3A_27] : memref<128x128xf32, #tpu.memory_space<vmem>>, vector<128x128xf32>
    %dot_general3A = arith.constant dense<0.000000e+00> : vector<1024x128xf32>
    %dot_general3A_29 = tpu.matmul %get3A_25, %get3A_28, %dot_general3A {dimension_numbers = #tpu.dot_dimension_numbers<[1], [0], [0], [1], [0, 0, 1, 1], [], []>, precision = #tpu.contract_precision<fp32>, transpose_lhs_hint = false} : vector<1024x128xf32>, vector<128x128xf32>, vector<1024x128xf32> -> vector<1024x128xf32>
    %get3A_30 = arith.constant 0 : index
    %get3A_31 = arith.constant 0 : index
    %get3A_32 = vector.load %arg5[%get3A_30, %get3A_31] : memref<128x128xf32, #tpu.memory_space<vmem>>, vector<128x128xf32>
    %dot_general3A_33 = arith.constant dense<0.000000e+00> : vector<1024x128xf32>
    %dot_general3A_34 = tpu.matmul %div3A_22, %get3A_32, %dot_general3A_33 {dimension_numbers = #tpu.dot_dimension_numbers<[1], [0], [0], [1], [0, 0, 1, 1], [], []>, precision = #tpu.contract_precision<fp32>, transpose_lhs_hint = false} : vector<1024x128xf32>, vector<128x128xf32>, vector<1024x128xf32> -> vector<1024x128xf32>
    %add3A_35 = arith.addf %dot_general3A_29, %dot_general3A_34 : vector<1024x128xf32>
    %ge3A = arith.constant 0.000000e+00 : f32
    %ge3A_36 = vector.broadcast %ge3A : f32 to vector<1024x128xf32>
    %ge3A_37 = arith.cmpf oge, %add3A_35, %ge3A_36 : vector<1024x128xf32>
    %mul3A = arith.constant 0.00999999977 : f32
    %mul3A_38 = vector.broadcast %mul3A : f32 to vector<1024x128xf32>
    %mul3A_39 = arith.mulf %mul3A_38, %add3A_35 : vector<1024x128xf32>
    %select_n3A = arith.select %ge3A_37, %add3A_35, %mul3A_39 : vector<1024x128xi1>, vector<1024x128xf32>
    %get3A_40 = arith.constant 0 : index
    %get3A_41 = arith.constant 0 : index
    %get3A_42 = arith.constant 0 : index
    %get3A_43 = vector.load %arg6[%get3A_40, %get3A_41, %get3A_42] : memref<1x1x1024xi32, #tpu.memory_space<vmem>>, vector<1x1x1024xi32>
    %get3A_44 = vector.shape_cast %get3A_43 : vector<1x1x1024xi32> to vector<1x1024xi32>
    %iota3A = tpu.iota {dimensions = array<i32: 0>} : vector<64x1024xi32>
    %eq3A = vector.broadcast %get3A_44 : vector<1x1024xi32> to vector<64x1024xi32>
    %eq3A_45 = arith.cmpi eq, %iota3A, %eq3A : vector<64x1024xi32>
    %convert_element_type3A = arith.extui %eq3A_45 : vector<64x1024xi1> to vector<64x1024xi32>
    %convert_element_type3A_46 = arith.sitofp %convert_element_type3A : vector<64x1024xi32> to vector<64x1024xf32>
    %eq3A_47 = arith.constant 0 : i32
    %eq3A_48 = arith.cmpi eq, %arg0, %eq3A_47 : i32
    %convert_element_type3A_49 = arith.extui %eq3A_48 : i1 to i32
    %cond3A = arith.constant 0 : i32
    %cond3A_50 = arith.cmpi ne, %convert_element_type3A_49, %cond3A : i32
    scf.if %cond3A_50 {
      %broadcast_in_dim3A_74 = arith.constant 0.000000e+00 : f32
      %broadcast_in_dim3A_75 = vector.broadcast %broadcast_in_dim3A_74 : f32 to vector<64x128xf32>
      %swap3A_76 = arith.constant 0 : index
      %swap3A_77 = arith.constant 0 : index
      %swap3A_78 = vector.load %arg12[%swap3A_76, %swap3A_77] : memref<64x128xf32, #tpu.memory_space<vmem>>, vector<64x128xf32>
      tpu.vector_store %arg12[%swap3A_76, %swap3A_77], %broadcast_in_dim3A_75 {strides = array<i32>} : memref<64x128xf32, #tpu.memory_space<vmem>>, vector<64x128xf32>,
      %broadcast_in_dim3A_79 = arith.constant 0.000000e+00 : f32
      %broadcast_in_dim3A_80 = vector.broadcast %broadcast_in_dim3A_79 : f32 to vector<64x128xf32>
      %swap3A_81 = arith.constant 0 : index
      %swap3A_82 = arith.constant 0 : index
      %swap3A_83 = vector.load %arg13[%swap3A_81, %swap3A_82] : memref<64x128xf32, #tpu.memory_space<vmem>>, vector<64x128xf32>
      tpu.vector_store %arg13[%swap3A_81, %swap3A_82], %broadcast_in_dim3A_80 {strides = array<i32>} : memref<64x128xf32, #tpu.memory_space<vmem>>, vector<64x128xf32>,
    } else {
    }
    %get3A_51 = arith.constant 0 : index
    %get3A_52 = arith.constant 0 : index
    %get3A_53 = vector.load %arg12[%get3A_51, %get3A_52] : memref<64x128xf32, #tpu.memory_space<vmem>>, vector<64x128xf32>
    %dot_general3A_54 = arith.constant dense<0.000000e+00> : vector<64x128xf32>
    %dot_general3A_55 = tpu.matmul %convert_element_type3A_46, %select_n3A, %dot_general3A_54 {dimension_numbers = #tpu.dot_dimension_numbers<[1], [0], [0], [1], [0, 0, 1, 1], [], []>, precision = #tpu.contract_precision<fp32>, transpose_lhs_hint = false} : vector<64x1024xf32>, vector<1024x128xf32>, vector<64x128xf32> -> vector<64x128xf32>
    %add3A_56 = arith.addf %get3A_53, %dot_general3A_55 : vector<64x128xf32>
    %swap3A = arith.constant 0 : index
    %swap3A_57 = arith.constant 0 : index
    %swap3A_58 = vector.load %arg12[%swap3A, %swap3A_57] : memref<64x128xf32, #tpu.memory_space<vmem>>, vector<64x128xf32>
    tpu.vector_store %arg12[%swap3A, %swap3A_57], %add3A_56 {strides = array<i32>} : memref<64x128xf32, #tpu.memory_space<vmem>>, vector<64x128xf32>,
    %get3A_59 = arith.constant 0 : index
    %get3A_60 = arith.constant 0 : index
    %get3A_61 = vector.load %arg13[%get3A_59, %get3A_60] : memref<64x128xf32, #tpu.memory_space<vmem>>, vector<64x128xf32>
    %broadcast_in_dim3A = arith.constant 1.000000e+00 : f32
    %broadcast_in_dim3A_62 = vector.broadcast %broadcast_in_dim3A : f32 to vector<1024x128xf32>
    %dot_general3A_63 = arith.constant dense<0.000000e+00> : vector<64x128xf32>
    %dot_general3A_64 = tpu.matmul %convert_element_type3A_46, %broadcast_in_dim3A_62, %dot_general3A_63 {dimension_numbers = #tpu.dot_dimension_numbers<[1], [0], [0], [1], [0, 0, 1, 1], [], []>, precision = #tpu.contract_precision<fp32>, transpose_lhs_hint = false} : vector<64x1024xf32>, vector<1024x128xf32>, vector<64x128xf32> -> vector<64x128xf32>
    %add3A_65 = arith.addf %get3A_61, %dot_general3A_64 : vector<64x128xf32>
    %swap3A_66 = arith.constant 0 : index
    %swap3A_67 = arith.constant 0 : index
    %swap3A_68 = vector.load %arg13[%swap3A_66, %swap3A_67] : memref<64x128xf32, #tpu.memory_space<vmem>>, vector<64x128xf32>
    tpu.vector_store %arg13[%swap3A_66, %swap3A_67], %add3A_65 {strides = array<i32>} : memref<64x128xf32, #tpu.memory_space<vmem>>, vector<64x128xf32>,
    %eq3A_69 = arith.constant 9 : i32
    %eq3A_70 = arith.cmpi eq, %arg0, %eq3A_69 : i32
    %convert_element_type3A_71 = arith.extui %eq3A_70 : i1 to i32
    %cond3A_72 = arith.constant 0 : i32
    %cond3A_73 = arith.cmpi ne, %convert_element_type3A_71, %cond3A_72 : i32
    scf.if %cond3A_73 {
      %get3A_74 = arith.constant 0 : index
      %get3A_75 = arith.constant 0 : index
      %get3A_76 = vector.load %arg12[%get3A_74, %get3A_75] : memref<64x128xf32, #tpu.memory_space<vmem>>, vector<64x128xf32>
      %get3A_77 = arith.constant 0 : index
      %get3A_78 = arith.constant 0 : index
      %get3A_79 = vector.load %arg13[%get3A_77, %get3A_78] : memref<64x128xf32, #tpu.memory_space<vmem>>, vector<64x128xf32>
      %max3A_80 = arith.constant 1.000000e+00 : f32
      %max3A_81 = vector.broadcast %max3A_80 : f32 to vector<64x128xf32>
      %max3A_82 = arith.maximumf %get3A_79, %max3A_81 : vector<64x128xf32>
      %div3A_83 = arith.divf %get3A_76, %max3A_82 : vector<64x128xf32>
      %get3A_84 = arith.constant 0 : index
      %get3A_85 = arith.constant 0 : index
      %get3A_86 = vector.load %arg7[%get3A_84, %get3A_85] : memref<128x64xf32, #tpu.memory_space<vmem>>, vector<128x64xf32>
      %dot_general3A_87 = arith.constant dense<0.000000e+00> : vector<64x64xf32>
      %dot_general3A_88 = tpu.matmul %div3A_83, %get3A_86, %dot_general3A_87 {dimension_numbers = #tpu.dot_dimension_numbers<[1], [0], [0], [1], [0, 0, 1, 1], [], []>, precision = #tpu.contract_precision<fp32>, transpose_lhs_hint = false} : vector<64x128xf32>, vector<128x64xf32>, vector<64x64xf32> -> vector<64x64xf32>
      %get3A_89 = arith.constant 0 : index
      %get3A_90 = arith.constant 0 : index
      %get3A_91 = vector.load %arg8[%get3A_89, %get3A_90] : memref<1x64xf32, #tpu.memory_space<vmem>>, vector<1x64xf32>
      %add3A_92 = vector.broadcast %get3A_91 : vector<1x64xf32> to vector<64x64xf32>
      %add3A_93 = arith.addf %dot_general3A_88, %add3A_92 : vector<64x64xf32>
      %max3A_94 = arith.constant 0.000000e+00 : f32
      %max3A_95 = vector.broadcast %max3A_94 : f32 to vector<64x64xf32>
      %max3A_96 = arith.maximumf %add3A_93, %max3A_95 : vector<64x64xf32>
      %get3A_97 = arith.constant 0 : index
      %get3A_98 = arith.constant 0 : index
      %get3A_99 = vector.load %arg9[%get3A_97, %get3A_98] : memref<64x2xf32, #tpu.memory_space<vmem>>, vector<64x2xf32>
      %dot_general3A_100 = arith.constant dense<0.000000e+00> : vector<64x2xf32>
      %dot_general3A_101 = tpu.matmul %max3A_96, %get3A_99, %dot_general3A_100 {dimension_numbers = #tpu.dot_dimension_numbers<[1], [0], [0], [1], [0, 0, 1, 1], [], []>, precision = #tpu.contract_precision<fp32>, transpose_lhs_hint = false} : vector<64x64xf32>, vector<64x2xf32>, vector<64x2xf32> -> vector<64x2xf32>
      %get3A_102 = arith.constant 0 : index
      %get3A_103 = arith.constant 0 : index
      %get3A_104 = vector.load %arg10[%get3A_102, %get3A_103] : memref<1x2xf32, #tpu.memory_space<vmem>>, vector<1x2xf32>
      %add3A_105 = vector.broadcast %get3A_104 : vector<1x2xf32> to vector<64x2xf32>
      %add3A_106 = arith.addf %dot_general3A_101, %add3A_105 : vector<64x2xf32>
      %swap3A_107 = arith.constant 0 : index
      %swap3A_108 = arith.constant 0 : index
      %swap3A_109 = vector.load %arg11[%swap3A_107, %swap3A_108] : memref<64x2xf32, #tpu.memory_space<vmem>>, vector<64x2xf32>
      tpu.vector_store %arg11[%swap3A_107, %swap3A_108], %add3A_106 {strides = array<i32>} : memref<64x2xf32, #tpu.memory_space<vmem>>, vector<64x2xf32>,
    } else {
    }
    return
  }
  func.func @transform_0(%arg0: i32) -> (i32, i32) {
    %c0_i32 = arith.constant 0 : i32
    %c0_i32_0 = arith.constant 0 : i32
    return %arg0, %c0_i32 : i32, i32
  }
  func.func @transform_1(%arg0: i32) -> (i32, i32, i32) {
    %c0_i32 = arith.constant 0 : i32
    %c0_i32_0 = arith.constant 0 : i32
    %c0_i32_1 = arith.constant 0 : i32
    return %c0_i32, %arg0, %c0_i32_0 : i32, i32, i32
  }
  func.func @transform_2(%arg0: i32) -> (i32, i32, i32) {
    %c0_i32 = arith.constant 0 : i32
    %c0_i32_0 = arith.constant 0 : i32
    %c0_i32_1 = arith.constant 0 : i32
    return %c0_i32, %arg0, %c0_i32_0 : i32, i32, i32
  }
  func.func @transform_3(%arg0: i32) -> (i32, i32) {
    %c0_i32 = arith.constant 0 : i32
    %c0_i32_0 = arith.constant 0 : i32
    %c0_i32_1 = arith.constant 0 : i32
    return %c0_i32, %c0_i32_0 : i32, i32
  }
  func.func @transform_4(%arg0: i32) -> (i32, i32) {
    %c0_i32 = arith.constant 0 : i32
    %c0_i32_0 = arith.constant 0 : i32
    %c0_i32_1 = arith.constant 0 : i32
    return %c0_i32, %c0_i32_0 : i32, i32
  }
  func.func @transform_5(%arg0: i32) -> (i32, i32, i32) {
    %c0_i32 = arith.constant 0 : i32
    %c0_i32_0 = arith.constant 0 : i32
    %c0_i32_1 = arith.constant 0 : i32
    return %arg0, %c0_i32, %c0_i32_0 : i32, i32, i32
  }
  func.func @transform_6(%arg0: i32) -> (i32, i32) {
    %c0_i32 = arith.constant 0 : i32
    %c0_i32_0 = arith.constant 0 : i32
    %c0_i32_1 = arith.constant 0 : i32
    return %c0_i32, %c0_i32_0 : i32, i32
  }
  func.func @transform_7(%arg0: i32) -> (i32, i32) {
    %c0_i32 = arith.constant 0 : i32
    %c0_i32_0 = arith.constant 0 : i32
    %c0_i32_1 = arith.constant 0 : i32
    return %c0_i32, %c0_i32_0 : i32, i32
  }
  func.func @transform_8(%arg0: i32) -> (i32, i32) {
    %c0_i32 = arith.constant 0 : i32
    %c0_i32_0 = arith.constant 0 : i32
    %c0_i32_1 = arith.constant 0 : i32
    return %c0_i32, %c0_i32_0 : i32, i32
  }
  func.func @transform_9(%arg0: i32) -> (i32, i32) {
    %c0_i32 = arith.constant 0 : i32
    %c0_i32_0 = arith.constant 0 : i32
    %c0_i32_1 = arith.constant 0 : i32
    return %c0_i32, %c0_i32_0 : i32, i32
  }
  func.func @transform_10(%arg0: i32) -> (i32, i32) {
    %c0_i32 = arith.constant 0 : i32
    %c0_i32_0 = arith.constant 0 : i32
    %c0_i32_1 = arith.constant 0 : i32
    return %c0_i32, %c0_i32_0 : i32, i32
  }
}

</mosaic_0001>

<sc_bundles>
// kernel: kernel.6.cloned.1.call-start
scs
__scs_entry_jumppad:
0x0: {  	(pc) =	sbr.rel $0x88, $3  }
0x1: {  	(tag) =	ssettag $0x0;
	lr =	simm.s32 $0x1  }
0x2: {  	[smem:$0x3F96] =	sst lr;
	_ =	strace $0xD0000000  }
0x3: {  	_ = 	snop  }
0x4: {  	_ = 	snop  }
0x5: {  	_ = 	snop  }
0x6: {  	_ = 	snop  }
0x7: {  	_ = 	snop  }
__scs_overlays_trampoline_lowered:
0x8: {  	[smem:$0x3FA5] =	sst s0  }
0x9: {  	[smem:$0x3FA6] =	sst s1  }
0xa: {  	[smem:$0x3FA7] =	sst s2  }
0xb: {  	[smem:$0x3FA8] =	sst s3  }
0xc: {  	[smem:$0x3FA9] =	sst s4  }
0xd: {  	[smem:$0x3FAA] =	sst s5  }
0xe: {  	[smem:$0x3FAB] =	sst s6  }
0xf: {  	[smem:$0x3FAC] =	sst s7  }
0x10: {  	[smem:$0x3FAD] =	sst s8  }
0x11: {  	[smem:$0x3FAE] =	sst s9;
	s0 =	simm.s32 @!p0 $0x0  }
0x12: {  	s1 =	sld [smem:$0x3F94];
	s0 =	simm.s32 @p0 $0x1  }
0x13: {  	[smem:$0x3FAF] =	sst s0;
	s0 =	simm.s32 @!p1 $0x0  }
0x14: {  	s2 =	sld [smem:$0x3F93];
	s0 =	simm.s32 @p1 $0x1  }
0x15: {  	[smem:$0x3FB0] =	sst s0;
	s0 =	simm.s32 @!p2 $0x0  }
0x16: {  	s3 =	sld [smem:$0x3FDB];
	s0 =	simm.s32 @p2 $0x1  }
0x17: {  	s4 =	simm.s32 $0x1BF5;
	[smem:$0x3FB2] =	sst s0  }
0x18: {  	s0 =	sld [smem:$0x3F95];
	_ =	swait.ge [sflag:s4], $0x0  }
0x19: {  	s7 =	sld [smem:$0x3F96]  }
0x1a: {  	s8 =	sadd.s32 $0xFFFFE003, lr  }
0x1b: {  	s9 =	sadd.s32 $0xFFFFFEF7, lr;
	s5 =	simm.s32 $0xFFFFFFFF;
	p2 =	slt.u32 s8, $0xFFFFF086  }
0x1c: {  	p1 =	slt.u32 s9, $0xF7A;
	s5 =	simm.s32 @!p2 $0x0  }
0x1d: {  	s5 =	simm.s32 @p1 $0x1;
	p0 =	seq.s32 s7, s2  }
0x1e: {  	s7 =	smul.u32 @!p0 $0xF7A, s2;
	p2 =	seq.s32 @!p0 s5, $0x0  }
0x1f: {  	s9 =	smul.u32 $0xF7A, s1;
	s8 =	simm.s32 @!p0 $0x1BF5;
	p2 =	por !p2, p0  }
0x20: {  	[sflag:s8] =	ssyncset.s32 @!p0 $0xFFFFF086;
	s6 =	sadd.s32 @!p0 s3, s7;
	s7 =	simm.s32 @!p0 $0x108  }
0x21: {  	s3 =	sadd.s32 s3, s9;
	s6 =	sadd.s32 @!p0 $0x88, s6;
	s7 =	simm.s32 @p2 $0x1082  }
0x22: {  	[simem:s7], [sflag:s8] =	dma.local @!p0 [hbm:s6], $0xF7A  }
0x23: {  	s9 =	sor.u32 $0xD0000000, s2;
	s6 =	simm.s32 $0x108;
	_ =	swait.ge @!p0 [sflag:s8], $0x0  }
0x24: {  	s3 =	sadd.s32 $0x88, s3;
	s6 =	simm.s32 @!p1 $0x1082;
	[sflag:s4] =	ssyncset.s32 $0xFFFFF086  }
0x25: {  	[simem:s6], [sflag:s4] =	dma.local [hbm:s3], $0xF7A  }
0x26: {  	[smem:$0x3F96] =	sst s1;
	(tag) =	ssettag s2;
	_ =	strace s9  }
0x27: {  	s1 =	sld [smem:$0x3FA6]  }
0x28: {  	s2 =	sld [smem:$0x3FA7]  }
0x29: {  	s4 =	sld [smem:$0x3FA9]  }
0x2a: {  	p0 =	seq.s32 s5, $0x0;
	s5 =	sld [smem:$0x3FAA]  }
0x2b: {  	s6 =	sld [smem:$0x3FAB]  }
0x2c: {  	s7 =	sld [smem:$0x3FAC]  }
0x2d: {  	s3 =	simm.s32 $0x108;
	s8 =	sld [smem:$0x3FAD]  }
0x2e: {  	s3 =	simm.s32 @!p0 $0x1082;
	s9 =	sld [smem:$0x3FAE]  }
0x2f: {  	lr =	sadd.s32 s0, s3;
	s0 =	sld [smem:$0x3FA5]  }
0x30: {  	s3 =	sld [smem:$0x3FA8]  }
0x31: {  	[smem:$0x3FB1] =	sst s10  }
0x32: {  	s10 =	sld [smem:$0x3FAF];
	_ =	sdelay $0x3  }
0x33: {  	p0 =	seq.s32 s10, $0x1;
	s10 =	sld [smem:$0x3FB1];
	_ =	sdelay $0x3  }
0x34: {  	[smem:$0x3FB1] =	sst s10  }
0x35: {  	s10 =	sld [smem:$0x3FB0];
	_ =	sdelay $0x3  }
0x36: {  	p1 =	seq.s32 s10, $0x1;
	s10 =	sld [smem:$0x3FB1];
	_ =	sdelay $0x3  }
0x37: {  	[smem:$0x3FB1] =	sst s10  }
0x38: {  	s10 =	sld [smem:$0x3FB2]  }
0x39: {  	_ = 	snop;
	(pc) =	sbr.ind lr, $3  }
0x3a: {  	_ = 	snop  }
0x3b: {  	_ = 	snop  }
0x3c: {  	p2 =	seq.s32 s10, $0x1;
	s10 =	sld [smem:$0x3FB1]  }
0x3d: {  	_ =	shalt  }
0x3e: {  	_ =	shalt  }
0x3f: {  	_ =	shalt  }
0x40: {  	_ =	shalt  }
0x41: {  	_ =	shalt  }
0x42: {  	_ =	shalt  }
0x43: {  	_ =	shalt  }
0x44: {  	_ =	shalt  }
0x45: {  	_ =	shalt  }
0x46: {  	_ =	shalt  }
0x47: {  	_ =	shalt  }
0x48: {  	_ =	shalt  }
0x49: {  	_ =	shalt  }
0x4a: {  	_ =	shalt  }
0x4b: {  	_ =	shalt  }
0x4c: {  	_ =	shalt  }
0x4d: {  	_ =	shalt  }
0x4e: {  	_ =	shalt  }
0x4f: {  	_ =	shalt  }
0x50: {  	_ =	shalt  }
0x51: {  	_ =	shalt  }
0x52: {  	_ =	shalt  }
0x53: {  	_ =	shalt  }
0x54: {  	_ =	shalt  }
0x55: {  	_ =	shalt  }
0x56: {  	_ =	shalt  }
0x57: {  	_ =	shalt  }
0x58: {  	_ =	shalt  }
0x59: {  	_ =	shalt  }
0x5a: {  	_ =	shalt  }
0x5b: {  	_ =	shalt  }
0x5c: {  	_ =	shalt  }
0x5d: {  	_ =	shalt  }
0x5e: {  	_ =	shalt  }
0x5f: {  	_ =	shalt  }
0x60: {  	_ =	shalt  }
0x61: {  	_ =	shalt  }
0x62: {  	_ =	shalt  }
0x63: {  	_ =	shalt  }
0x64: {  	_ =	shalt  }
0x65: {  	_ =	shalt  }
0x66: {  	_ =	shalt  }
0x67: {  	_ =	shalt  }
0x68: {  	_ =	shalt  }
0x69: {  	_ =	shalt  }
0x6a: {  	_ =	shalt  }
0x6b: {  	_ =	shalt  }
0x6c: {  	_ =	shalt  }
0x6d: {  	_ =	shalt  }
0x6e: {  	_ =	shalt  }
0x6f: {  	_ =	shalt  }
0x70: {  	_ =	shalt  }
0x71: {  	_ =	shalt  }
0x72: {  	_ =	shalt  }
0x73: {  	_ =	shalt  }
0x74: {  	_ =	shalt  }
0x75: {  	_ =	shalt  }
0x76: {  	_ =	shalt  }
0x77: {  	_ =	shalt  }
0x78: {  	_ =	shalt  }
0x79: {  	_ =	shalt  }
0x7a: {  	_ =	shalt  }
0x7b: {  	_ =	shalt  }
0x7c: {  	_ =	shalt  }
0x7d: {  	_ =	shalt  }
0x7e: {  	_ =	shalt  }
0x7f: {  	_ =	shalt  }
0x80: {  	_ =	shalt  }
0x81: {  	_ =	shalt  }
0x82: {  	_ =	shalt  }
0x83: {  	_ =	shalt  }
0x84: {  	_ =	shalt  }
0x85: {  	_ =	shalt  }
0x86: {  	_ =	shalt  }
0x87: {  	_ =	shalt  }
.Lfunc_end0:
.L_simem_size_0:
called_computation_lowered:
.L_overlay_start_0:
0x88: {  	s2 =	sld [smem:$0x3FD9]  }
0x89: {  	s3 =	sld [smem:$0x3FFE];
	_ =	sdelay $0x1  }
0x8a: {  	s1 =	srdreg.scid  }
0x8b: {  	s0 =	sand.u32 $0x1, s1  }
0x8c: {  	s16 =	sshll.u32 s0, $0xA;
	s2 =	sadd.s32 s3, s2  }
0x8d: {  	s2 =	sadd.s32 s2, s16  }
0x8e: {  	[smem:$0x3FBD] =	sst s2  }
0x8f: {  	_ = 	snop  }
0x90: {  	(tm) =	ssettm $0x1  }
0x91: {  	s17 =	sld [smem:$0x3FFB];
	_ =	sdelay $0x3  }
0x92: {  	_ =	strace s17  }
0x93: {  	s2 =	sld [smem:$0x3FFC];
	_ =	sdelay $0x3  }
0x94: {  	_ =	strace s2  }
0x95: {  	s2 =	sld [smem:$0x3FFD];
	_ =	sdelay $0x3  }
0x96: {  	_ =	strace s2  }
0x97: {  	_ =	strace $0x8FFFFFFF  }
0x98: {  	s18 =	sld [smem:$0x3FDB];
	_ =	sdelay $0x1  }
0x99: {  	s19 =	simm.s32 $_scs_section_size  }
0x9a: {  	s4 =	simm.s32 $_size__tile_overlayer_lowered;
	s5 =	simm.s32 $_tile_overlayer_lowered  }
0x9b: {  	s22 =	simm.s32 $0x1BFF;
	s21 =	sshll.u32 s5, $0x1;
	s2 =	sadd.s32 s19, s18  }
0x9c: {  	s6 =	simm.s32 $0x0;
	s20 =	sshll.u32 s4, $0x1;
	s4 =	sadd.s32 s21, s2  }
0x9d: {  	[timem:s6], [sflag:s22] =	dma.local [hbm:s4], s20  }
0x9e: {  	_ =	swait.ge [sflag:s22], s20  }
0x9f: {  	s3 =	ssub.s32 $0x0, s20;
	[sflag:s22] =	ssyncset.done $0x0  }
0xa0: {  	[sflag:s22] =	ssyncadd.s32 s3;
	_ =	sdelay $0x1  }
0xa1: {  	s23 =	simm.s32 $0x1B8B  }
0xa2: {  	_ =	swait.ge [sflag:s23], $0x1  }
0xa3: {  	[sflag:s23] =	ssyncset.done $0x0  }
0xa4: {  	s25 =	simm.s32 $0x1B8E;
	s24 =	sld [smem:$0x3FFE];
	[sflag:s23] =	ssyncadd.s32 $0xFFFFFFFF  }
0xa5: {  	s26 =	simm.s32 $execute0_lowered;
	[smem:$0x3FD2] =	sst s25  }
0xa6: {  	s4 =	sshll.u32 s26, $0x1;
	_ =	strace $0x80000046;
	[dreg:$0x1] =	wrdreg $0xFFFFFFFF  }
0xa7: {  	s28 =	simm.s32 $_size_execute0_lowered;
	s2 =	sadd.s32 s2, s4;
	[dreg:$0x0] =	wrdreg $0x0  }
0xa8: {  	s4 =	sshll.u32 s28, $0x1;
	[dreg:$0x2] =	wrdreg s2  }
0xa9: {  	[dreg:$0x3] =	wrdreg s4  }
0xaa: {  	[dreg:$0x4] =	wrdreg $0xC0  }
0xab: {  	_ =	task [dreg:s6], $0x5FFFF  }
0xac: {  	[dreg:$0x1] =	wrdreg $0xFFFFFFFF  }
0xad: {  	[dreg:$0x0] =	wrdreg $0x60  }
0xae: {  	[dreg:$0x2] =	wrdreg s24  }
0xaf: {  	[dreg:$0x3] =	wrdreg $0x90000  }
0xb0: {  	[dreg:$0x4] =	wrdreg $0x9  }
0xb1: {  	_ =	task.clear_ibuf [dreg:s6], $0x5FFFF;
	_ =	strace $0x90000046  }
0xb2: {  	s29 =	simm.s32 $0x9;
	_ =	strace $0x80000048  }
0xb3: {  	_ =	swait.ge [sflag:s29], $0x1  }
0xb4: {  	[sflag:s29] =	ssyncadd.s32 $0xFFFFFFFF  }
0xb5: {  	_ =	strace $0x90000048  }
0xb6: {  	_ =	sfence  }
0xb7: {  	s30 =	sld [smem:$0x0];
	_ =	sdelay $0x2  }
0xb8: {  	s31 =	sshll.u32 s1, $0xD;
	s1 =	sshrl.u32 s1, $0x2  }
0xb9: {  	s3 =	sand.u32 $0x4000, s31;
	s1 =	sadd.s32 s1, s30  }
0xba: {  	s0 =	sor.u32 s3, s0;
	s1 =	sshll.u32 s1, $0x11  }
0xbb: {  	s0 =	sor.u32 s1, s0  }
0xbc: {  	s0 =	sadd.s32 $0x8F2B, s0  }
0xbd: {  	[sflag:s0] =	ssyncadd.remote.s32 $0x1  }
0xbe: {  	_ =	sfence.sel $0xFFFF  }
0xbf: {  	[dreg:$0x0] =	wrdreg $0xFFFFFFFF;
	(pc) =	sbr.abs _section_cstart, $3  }
0xc0: {  	[dreg:$0x1] =	wrdreg $0xFFFFFFFF  }
0xc1: {  	_ =	task.clear_ibuf [dreg:s6], $0x2FFFF;
	_ =	strace $0x9FFFFFFF  }
0xc2: {  	(tm) =	ssettm $0x7FFFFFFF  }
0xc3: {  	_ =	shalt  }
tec
execute0_lowered:
.L_overlay_start_1:
0x0: {  	(tag) =	ssettag $0x1  }
0x1: {  	s6 =	rddreg [dreg:$0x0]  }
0x2: {  	s0 =	srdreg.scid;
	s2 =	rddreg [dreg:$0x1];
	s3 =	simm.s32 $0x0  }
0x3: {  	s15 =	simm.s32 $0x2800;
	s16 =	simm.s32 $0x7D;
	s17 =	simm.s32 $0x5000  }
0x4: {  	s18 =	simm.s32 $0x1;
	s5 =	sand.u32 $0x1, s0;
	s0 =	stileid.u32  }
0x5: {  	s19 =	simm.s32 $0x0;
	[smem:$0x7FF] =	sst s3;
	s8 =	smul.u32 $0x14000, s0  }
0x6: {  	s4 =	sadd.s32 $0x16800, s6;
	s1 =	sshll.u32 s5, $0x4;
	s9 =	smul.u32 $0x140000, s5  }
0x7: {  	s26 =	ssub.s32 $0x2, s5;
	s28 =	smul.u32 $0x50000, s0;
	s5 =	sadd.s32 $0x66800, s6  }
0x8: {  	s31 =	sshll.u32 s0, $0x6;
	s1 =	sor.u32 s0, s1;
	s29 =	sshrl.u32 s26, $0x1  }
0x9: {  	s7 =	smul.u32 $0x500, s1;
	s1 =	rddreg [dreg:$0x2];
	_ =	strace $0x80000047  }
0xa: {  	s10 =	sshrl.u32 s8, $0x3;
	s8 =	sadd.s32 s8, s9;
	s13 =	ssub.s32 s26, s29  }
0xb: {  	s30 =	sshrl.u32 s28, $0x2;
	s25 =	sadd.s32 s10, s6;
	s8 =	sshrl.u32 s8, $0x3  }
0xc: {  	s14 =	sadd.s32 s30, s2;
	s11 =	sadd.s32 s7, s6;
	s12 =	sadd.s32 s8, s6  }
0xd: {  	s6 =	sadd.s32 $0x3E800, s25;
	s7 =	sor.u32 $0x1C02, s31;
	s8 =	sadd.s32 $0x2800, s11  }
0xe: {  	s9 =	sadd.s32 $0xC800, s11;
	s10 =	sadd.s32 $0x67000, s12;
	s11 =	sadd.s32 $0xB7000, s12  }
0xf: {  	s12 =	smax.u32 s13, $0x1;
	s13 =	sshrl.u32 s14, $0x3;
	s14 =	simm.s32 $0x2  }
.LBB2_1:
0x10: {  	[spmem:s13], [sflag:s7] =	dma.local [hbm:s6], $0x2800  }
0x11: {  	_ =	swait.ge [sflag:s14], $0x2800  }
0x12: {  	[sflag:s14] =	ssyncset.done $0x0  }
0x13: {  	[sflag:s14] =	ssyncadd.s32 $0xFFFFD800  }
0x14: {  	[tilespmem:s3], [sflag:$0x2] =	stream.linear.gather [hbm4b:s8+s3], $0x2800, $0x38;
	[tilespmem:$0x1D000] =	vst v63  }
0x15: {  	_ =	swait.ge [sflag:s14], $0x2800  }
0x16: {  	[sflag:s14] =	ssyncset.done $0x0  }
0x17: {  	[sflag:s14] =	ssyncadd.s32 $0xFFFFD800  }
0x18: {  	[tilespmem:s15], [sflag:$0x2] =	stream.linear.gather [hbm4b:s9+s3], $0x2800, $0x38;
	[tilespmem:$0x1D000] =	vst v63  }
0x19: {  	_ =	swait.ge [sflag:s14], $0x2800  }
0x1a: {  	[sflag:s14] =	ssyncset.done $0x0  }
0x1b: {  	[sflag:s14] =	ssyncadd.s32 $0xFFFFD800  }
0x1c: {  	s20 =	simm.s32 $0x0;
	[bflag:$0x0] =	sbarrier.arrive $0xFFFF  }
0x1d: {  	[tilespmem:s17], [sflag:$0x1] =	stream.indirect.gather [hbm4b:s4+s16], $0x80, s20, s16, $0xb8;
	[tilespmem:$0x1D000] =	vst v63  }
0x1e: {  	_ =	swait.ge [sflag:s18], $0x3E80  }
0x1f: {  	[sflag:s18] =	ssyncset.done $0x0  }
0x20: {  	s31 =	simm.s32 $0x2800;
	[sflag:s18] =	ssyncadd.s32 $0xFFFFC180  }
0x21: {  	[spmem:s2] =	stream.indirect.scatter.add.f32 [tilespmem:s17], [sflag:$0x2], $0x80, s31, s16, $0xb8;
	[tilespmem:$0x1D000] =	vst v63  }
0x22: {  	_ =	swait.ge [sflag:s14], $0x3E80  }
0x23: {  	s21 =	simm.s32 $0x400;
	s20 =	simm.s32 $0x200;
	[sflag:s14] =	ssyncset.done $0x0  }
.LBB2_2:
0x24: {  	s22 =	sshra.s32 s20, $0x2  }
0x25: {  	[sflag:s14] =	ssyncadd.s32 $0xFFFFC180;
	s20 =	smov.u32 s21;
	s23 =	sadd.s32 $0x200, s21  }
0x26: {  	[tilespmem:s17], [sflag:$0x1] =	stream.indirect.gather [hbm4b:s4+s16], $0x80, s22, s16, $0xb8;
	[tilespmem:$0x1D000] =	vst v63  }
0x27: {  	p0 =	sne.s32 s21, $0x9E00;
	_ =	swait.ge [sflag:s18], $0x3E80  }
.Ltmp0:
0x28: {  	[sflag:s18] =	ssyncset.done $0x0;
	(pc) =	sbr.rel @p0 .LBB2_2-.Ltmp0, $4  }
0x29: {  	s21 =	sadd.s32 $0x2800, s22;
	[sflag:s18] =	ssyncadd.s32 $0xFFFFC180  }
0x2a: {  	[spmem:s2] =	stream.indirect.scatter.add.f32 [tilespmem:s17], [sflag:$0x2], $0x80, s21, s16, $0xb8;
	[tilespmem:$0x1D000] =	vst v63  }
0x2b: {  	_ =	swait.ge [sflag:s14], $0x3E80  }
0x2c: {  	s21 =	smov.u32 s23;
	[sflag:s14] =	ssyncset.done $0x0  }
0x2d: {  	s20 =	sshra.s32 s20, $0x2;
	[sflag:s14] =	ssyncadd.s32 $0xFFFFC180  }
0x2e: {  	[tilespmem:s17], [sflag:$0x1] =	stream.indirect.gather [hbm4b:s4+s16], $0x80, s20, s16, $0xb8;
	[tilespmem:$0x1D000] =	vst v63  }
0x2f: {  	_ =	swait.ge [sflag:s18], $0x3E80  }
0x30: {  	[sflag:s18] =	ssyncset.done $0x0  }
0x31: {  	s20 =	sadd.s32 $0x2800, s20;
	[sflag:s18] =	ssyncadd.s32 $0xFFFFC180  }
0x32: {  	[spmem:s2] =	stream.indirect.scatter.add.f32 [tilespmem:s17], [sflag:$0x2], $0x80, s20, s16, $0xb8;
	[tilespmem:$0x1D000] =	vst v63  }
0x33: {  	_ =	swait.ge [sflag:s14], $0x3E80  }
0x34: {  	[sflag:s14] =	ssyncset.done $0x0  }
0x35: {  	[sflag:s14] =	ssyncadd.s32 $0xFFFFC180  }
0x36: {  	[bflag:$0x0] =	sbarrier.arrive $0xFFFF  }
0x37: {  	[hbm:s10], [sflag:s7] =	dma.local [spmem:s13], $0x2800  }
0x38: {  	_ =	swait.ge [sflag:s14], $0x2800  }
0x39: {  	[sflag:s14] =	ssyncset.done $0x0  }
0x3a: {  	[sflag:s14] =	ssyncadd.s32 $0xFFFFD800  }
0x3b: {  	[bflag:$0x0] =	sbarrier.arrive $0xFFFF  }
0x3c: {  	[spmem:s13], [sflag:s7] =	dma.local [hbm:s6], $0x2800  }
0x3d: {  	_ =	swait.ge [sflag:s14], $0x2800  }
0x3e: {  	[sflag:s14] =	ssyncset.done $0x0  }
0x3f: {  	s30 =	simm.s32 $0x0;
	[sflag:s14] =	ssyncadd.s32 $0xFFFFD800  }
0x40: {  	[tilespmem:s17], [sflag:$0x2] =	stream.linear.gather [hbm4b:s5+s30], $0x3E80, $0x38;
	[tilespmem:$0x1D000] =	vst v63  }
0x41: {  	_ =	swait.ge [sflag:s14], $0x3E80  }
0x42: {  	[sflag:s14] =	ssyncset.done $0x0  }
0x43: {  	[sflag:s14] =	ssyncadd.s32 $0xFFFFC180  }
0x44: {  	s31 =	simm.s32 $0x2800;
	[bflag:$0x0] =	sbarrier.arrive $0xFFFF  }
0x45: {  	[spmem:s2] =	stream.indirect.scatter.add.f32 [tilespmem:s17], [sflag:$0x2], $0x80, s31, s16, $0xb8;
	[tilespmem:$0x1D000] =	vst v63  }
0x46: {  	s20 =	simm.s32 $0x200;
	_ =	swait.ge [sflag:s14], $0x3E80  }
.LBB2_4:
0x47: {  	s21 =	sshra.s32 s20, $0x2;
	[sflag:s14] =	ssyncset.done $0x0;
	p0 =	sne.s32 s20, $0x9E00  }
.Ltmp1:
0x48: {  	s21 =	sadd.s32 $0x2800, s21;
	[sflag:s14] =	ssyncadd.s32 $0xFFFFC180;
	(pc) =	sbr.rel @p0 .LBB2_4-.Ltmp1, $3  }
0x49: {  	[spmem:s2] =	stream.indirect.scatter.add.f32 [tilespmem:s17], [sflag:$0x2], $0x80, s21, s16, $0xb8;
	[tilespmem:$0x1D000] =	vst v63  }
0x4a: {  	s20 =	sadd.s32 $0x200, s20;
	_ =	sdelay $0x1  }
0x4b: {  	_ =	swait.ge [sflag:s14], $0x3E80  }
0x4c: {  	[sflag:s14] =	ssyncset.done $0x0;
	s19 =	sadd.s32 $0x1, s19  }
0x4d: {  	[sflag:s14] =	ssyncadd.s32 $0xFFFFC180;
	p0 =	sne.s32 s19, s12  }
.Ltmp2:
0x4e: {  	[bflag:$0x0] =	sbarrier.arrive $0xFFFF;
	(pc) =	sbr.rel @p0 .LBB2_1-.Ltmp2, $4  }
0x4f: {  	[hbm:s11], [sflag:s7] =	dma.local [spmem:s13], $0x2800  }
0x50: {  	_ =	swait.ge [sflag:s14], $0x2800  }
0x51: {  	[sflag:s14] =	ssyncset.done $0x0  }
0x52: {  	[sflag:s14] =	ssyncadd.s32 $0xFFFFD800  }
0x53: {  	_ =	sfence.sel $0x180000  }
0x54: {  	[bflag:$0x0] =	sbarrier.arrive $0xFFFF  }
0x55: {  	p0 =	sne.s32 s0, $0x0;
	_ =	strace $0x90000047  }
0x56: {  	s0 =	sadd.s32 @!p0 $0x100000, s1;
	[bflag:$0x2] =	sbarrier.arrive $0xFFFF  }
0x57: {  	[sflag:s0] =	ssyncadd.tile.s32 @!p0 $0x1;
	_ =	shalt  }
.Lfunc_end2:
_tile_overlayer_lowered:
.L_overlay_start_2:
0x58: {  	(tag) =	ssettag $0x2  }
0x59: {  	s0 =	rddreg [dreg:$0x0];
	s2 =	stileid.u32  }
0x5a: {  	s1 =	rddreg [dreg:$0x1];
	p0 =	sne.s32 s2, $0x0  }
0x5b: {  	s3 =	rddreg [dreg:$0x2];
	[bflag:$0x3] =	sbarrier.arrive $0xFFFF;
	s2 =	simm.s32 @!p0 $0x1C02  }
0x5c: {  	[timem:s3], [sflag:s2] =	dma.local @!p0 [hbm:s0], s1  }
0x5d: {  	s0 =	simm.s32 @!p0 $0x2  }
0x5e: {  	_ =	swait.ge @!p0 [sflag:s0], s1  }
0x5f: {  	s1 =	ssub.s32 @!p0 $0x0, s1;
	[sflag:s0] =	ssyncset.done @!p0 $0x0  }
0x60: {  	[sflag:s0] =	ssyncadd.s32 @!p0 s1  }
0x61: {  	[bflag:$0x3] =	sbarrier.arrive $0xFFFF  }
0x62: {  	_ =	shalt  }

// kernel: kernel.9.cloned.1.call-start
scs
__scs_entry_jumppad:
0x0: {  	(pc) =	sbr.rel $0x88, $3  }
0x1: {  	(tag) =	ssettag $0x0;
	lr =	simm.s32 $0x1  }
0x2: {  	[smem:$0x3F96] =	sst lr;
	_ =	strace $0xD0000000  }
0x3: {  	_ = 	snop  }
0x4: {  	_ = 	snop  }
0x5: {  	_ = 	snop  }
0x6: {  	_ = 	snop  }
0x7: {  	_ = 	snop  }
__scs_overlays_trampoline_lowered:
0x8: {  	[smem:$0x3FA5] =	sst s0  }
0x9: {  	[smem:$0x3FA6] =	sst s1  }
0xa: {  	[smem:$0x3FA7] =	sst s2  }
0xb: {  	[smem:$0x3FA8] =	sst s3  }
0xc: {  	[smem:$0x3FA9] =	sst s4  }
0xd: {  	[smem:$0x3FAA] =	sst s5  }
0xe: {  	[smem:$0x3FAB] =	sst s6  }
0xf: {  	[smem:$0x3FAC] =	sst s7  }
0x10: {  	[smem:$0x3FAD] =	sst s8  }
0x11: {  	[smem:$0x3FAE] =	sst s9;
	s0 =	simm.s32 @!p0 $0x0  }
0x12: {  	s1 =	sld [smem:$0x3F94];
	s0 =	simm.s32 @p0 $0x1  }
0x13: {  	[smem:$0x3FAF] =	sst s0;
	s0 =	simm.s32 @!p1 $0x0  }
0x14: {  	s2 =	sld [smem:$0x3F93];
	s0 =	simm.s32 @p1 $0x1  }
0x15: {  	[smem:$0x3FB0] =	sst s0;
	s0 =	simm.s32 @!p2 $0x0  }
0x16: {  	s3 =	sld [smem:$0x3FDB];
	s0 =	simm.s32 @p2 $0x1  }
0x17: {  	s4 =	simm.s32 $0x1BF5;
	[smem:$0x3FB2] =	sst s0  }
0x18: {  	s0 =	sld [smem:$0x3F95];
	_ =	swait.ge [sflag:s4], $0x0  }
0x19: {  	s7 =	sld [smem:$0x3F96]  }
0x1a: {  	s8 =	sadd.s32 $0xFFFFE003, lr  }
0x1b: {  	s9 =	sadd.s32 $0xFFFFFEF7, lr;
	s5 =	simm.s32 $0xFFFFFFFF;
	p2 =	slt.u32 s8, $0xFFFFF086  }
0x1c: {  	p1 =	slt.u32 s9, $0xF7A;
	s5 =	simm.s32 @!p2 $0x0  }
0x1d: {  	s5 =	simm.s32 @p1 $0x1;
	p0 =	seq.s32 s7, s2  }
0x1e: {  	s7 =	smul.u32 @!p0 $0xF7A, s2;
	p2 =	seq.s32 @!p0 s5, $0x0  }
0x1f: {  	s9 =	smul.u32 $0xF7A, s1;
	s8 =	simm.s32 @!p0 $0x1BF5;
	p2 =	por !p2, p0  }
0x20: {  	[sflag:s8] =	ssyncset.s32 @!p0 $0xFFFFF086;
	s6 =	sadd.s32 @!p0 s3, s7;
	s7 =	simm.s32 @!p0 $0x108  }
0x21: {  	s3 =	sadd.s32 s3, s9;
	s6 =	sadd.s32 @!p0 $0x88, s6;
	s7 =	simm.s32 @p2 $0x1082  }
0x22: {  	[simem:s7], [sflag:s8] =	dma.local @!p0 [hbm:s6], $0xF7A  }
0x23: {  	s9 =	sor.u32 $0xD0000000, s2;
	s6 =	simm.s32 $0x108;
	_ =	swait.ge @!p0 [sflag:s8], $0x0  }
0x24: {  	s3 =	sadd.s32 $0x88, s3;
	s6 =	simm.s32 @!p1 $0x1082;
	[sflag:s4] =	ssyncset.s32 $0xFFFFF086  }
0x25: {  	[simem:s6], [sflag:s4] =	dma.local [hbm:s3], $0xF7A  }
0x26: {  	[smem:$0x3F96] =	sst s1;
	(tag) =	ssettag s2;
	_ =	strace s9  }
0x27: {  	s1 =	sld [smem:$0x3FA6]  }
0x28: {  	s2 =	sld [smem:$0x3FA7]  }
0x29: {  	s4 =	sld [smem:$0x3FA9]  }
0x2a: {  	p0 =	seq.s32 s5, $0x0;
	s5 =	sld [smem:$0x3FAA]  }
0x2b: {  	s6 =	sld [smem:$0x3FAB]  }
0x2c: {  	s7 =	sld [smem:$0x3FAC]  }
0x2d: {  	s3 =	simm.s32 $0x108;
	s8 =	sld [smem:$0x3FAD]  }
0x2e: {  	s3 =	simm.s32 @!p0 $0x1082;
	s9 =	sld [smem:$0x3FAE]  }
0x2f: {  	lr =	sadd.s32 s0, s3;
	s0 =	sld [smem:$0x3FA5]  }
0x30: {  	s3 =	sld [smem:$0x3FA8]  }
0x31: {  	[smem:$0x3FB1] =	sst s10  }
0x32: {  	s10 =	sld [smem:$0x3FAF];
	_ =	sdelay $0x3  }
0x33: {  	p0 =	seq.s32 s10, $0x1;
	s10 =	sld [smem:$0x3FB1];
	_ =	sdelay $0x3  }
0x34: {  	[smem:$0x3FB1] =	sst s10  }
0x35: {  	s10 =	sld [smem:$0x3FB0];
	_ =	sdelay $0x3  }
0x36: {  	p1 =	seq.s32 s10, $0x1;
	s10 =	sld [smem:$0x3FB1];
	_ =	sdelay $0x3  }
0x37: {  	[smem:$0x3FB1] =	sst s10  }
0x38: {  	s10 =	sld [smem:$0x3FB2]  }
0x39: {  	_ = 	snop;
	(pc) =	sbr.ind lr, $3  }
0x3a: {  	_ = 	snop  }
0x3b: {  	_ = 	snop  }
0x3c: {  	p2 =	seq.s32 s10, $0x1;
	s10 =	sld [smem:$0x3FB1]  }
0x3d: {  	_ =	shalt  }
0x3e: {  	_ =	shalt  }
0x3f: {  	_ =	shalt  }
0x40: {  	_ =	shalt  }
0x41: {  	_ =	shalt  }
0x42: {  	_ =	shalt  }
0x43: {  	_ =	shalt  }
0x44: {  	_ =	shalt  }
0x45: {  	_ =	shalt  }
0x46: {  	_ =	shalt  }
0x47: {  	_ =	shalt  }
0x48: {  	_ =	shalt  }
0x49: {  	_ =	shalt  }
0x4a: {  	_ =	shalt  }
0x4b: {  	_ =	shalt  }
0x4c: {  	_ =	shalt  }
0x4d: {  	_ =	shalt  }
0x4e: {  	_ =	shalt  }
0x4f: {  	_ =	shalt  }
0x50: {  	_ =	shalt  }
0x51: {  	_ =	shalt  }
0x52: {  	_ =	shalt  }
0x53: {  	_ =	shalt  }
0x54: {  	_ =	shalt  }
0x55: {  	_ =	shalt  }
0x56: {  	_ =	shalt  }
0x57: {  	_ =	shalt  }
0x58: {  	_ =	shalt  }
0x59: {  	_ =	shalt  }
0x5a: {  	_ =	shalt  }
0x5b: {  	_ =	shalt  }
0x5c: {  	_ =	shalt  }
0x5d: {  	_ =	shalt  }
0x5e: {  	_ =	shalt  }
0x5f: {  	_ =	shalt  }
0x60: {  	_ =	shalt  }
0x61: {  	_ =	shalt  }
0x62: {  	_ =	shalt  }
0x63: {  	_ =	shalt  }
0x64: {  	_ =	shalt  }
0x65: {  	_ =	shalt  }
0x66: {  	_ =	shalt  }
0x67: {  	_ =	shalt  }
0x68: {  	_ =	shalt  }
0x69: {  	_ =	shalt  }
0x6a: {  	_ =	shalt  }
0x6b: {  	_ =	shalt  }
0x6c: {  	_ =	shalt  }
0x6d: {  	_ =	shalt  }
0x6e: {  	_ =	shalt  }
0x6f: {  	_ =	shalt  }
0x70: {  	_ =	shalt  }
0x71: {  	_ =	shalt  }
0x72: {  	_ =	shalt  }
0x73: {  	_ =	shalt  }
0x74: {  	_ =	shalt  }
0x75: {  	_ =	shalt  }
0x76: {  	_ =	shalt  }
0x77: {  	_ =	shalt  }
0x78: {  	_ =	shalt  }
0x79: {  	_ =	shalt  }
0x7a: {  	_ =	shalt  }
0x7b: {  	_ =	shalt  }
0x7c: {  	_ =	shalt  }
0x7d: {  	_ =	shalt  }
0x7e: {  	_ =	shalt  }
0x7f: {  	_ =	shalt  }
0x80: {  	_ =	shalt  }
0x81: {  	_ =	shalt  }
0x82: {  	_ =	shalt  }
0x83: {  	_ =	shalt  }
0x84: {  	_ =	shalt  }
0x85: {  	_ =	shalt  }
0x86: {  	_ =	shalt  }
0x87: {  	_ =	shalt  }
.Lfunc_end0:
.L_simem_size_0:
called_computation.1_lowered:
.L_overlay_start_0:
0x88: {  	s2 =	sld [smem:$0x3FD9]  }
0x89: {  	s3 =	sld [smem:$0x3FFE];
	_ =	sdelay $0x1  }
0x8a: {  	s1 =	srdreg.scid  }
0x8b: {  	s0 =	sand.u32 $0x1, s1  }
0x8c: {  	s16 =	sshll.u32 s0, $0xA;
	s2 =	sadd.s32 s3, s2  }
0x8d: {  	s2 =	sadd.s32 s2, s16  }
0x8e: {  	[smem:$0x3FBD] =	sst s2  }
0x8f: {  	_ = 	snop  }
0x90: {  	(tm) =	ssettm $0x1  }
0x91: {  	s17 =	sld [smem:$0x3FFB];
	_ =	sdelay $0x3  }
0x92: {  	_ =	strace s17  }
0x93: {  	s2 =	sld [smem:$0x3FFC];
	_ =	sdelay $0x3  }
0x94: {  	_ =	strace s2  }
0x95: {  	s2 =	sld [smem:$0x3FFD];
	_ =	sdelay $0x3  }
0x96: {  	_ =	strace s2  }
0x97: {  	_ =	strace $0x8FFFFFFF  }
0x98: {  	s18 =	sld [smem:$0x3FDB];
	_ =	sdelay $0x1  }
0x99: {  	s19 =	simm.s32 $_scs_section_size  }
0x9a: {  	s4 =	simm.s32 $_size__tile_overlayer_lowered;
	s5 =	simm.s32 $_tile_overlayer_lowered  }
0x9b: {  	s22 =	simm.s32 $0x1BFF;
	s21 =	sshll.u32 s5, $0x1;
	s2 =	sadd.s32 s19, s18  }
0x9c: {  	s6 =	simm.s32 $0x0;
	s20 =	sshll.u32 s4, $0x1;
	s4 =	sadd.s32 s21, s2  }
0x9d: {  	[timem:s6], [sflag:s22] =	dma.local [hbm:s4], s20  }
0x9e: {  	_ =	swait.ge [sflag:s22], s20  }
0x9f: {  	s3 =	ssub.s32 $0x0, s20;
	[sflag:s22] =	ssyncset.done $0x0  }
0xa0: {  	[sflag:s22] =	ssyncadd.s32 s3;
	_ =	sdelay $0x1  }
0xa1: {  	s23 =	simm.s32 $0x1B8B  }
0xa2: {  	_ =	swait.ge [sflag:s23], $0x1  }
0xa3: {  	[sflag:s23] =	ssyncset.done $0x0  }
0xa4: {  	s25 =	simm.s32 $0x1B8E;
	s24 =	sld [smem:$0x3FFE];
	[sflag:s23] =	ssyncadd.s32 $0xFFFFFFFF  }
0xa5: {  	s26 =	simm.s32 $execute0_lowered;
	[smem:$0x3FD2] =	sst s25  }
0xa6: {  	s4 =	sshll.u32 s26, $0x1;
	_ =	strace $0x80000049;
	[dreg:$0x1] =	wrdreg $0xFFFFFFFF  }
0xa7: {  	s28 =	simm.s32 $_size_execute0_lowered;
	s2 =	sadd.s32 s2, s4;
	[dreg:$0x0] =	wrdreg $0x0  }
0xa8: {  	s4 =	sshll.u32 s28, $0x1;
	[dreg:$0x2] =	wrdreg s2  }
0xa9: {  	[dreg:$0x3] =	wrdreg s4  }
0xaa: {  	[dreg:$0x4] =	wrdreg $0xC0  }
0xab: {  	_ =	task [dreg:s6], $0x5FFFF  }
0xac: {  	[dreg:$0x1] =	wrdreg $0xFFFFFFFF  }
0xad: {  	[dreg:$0x0] =	wrdreg $0x60  }
0xae: {  	[dreg:$0x2] =	wrdreg s24  }
0xaf: {  	[dreg:$0x3] =	wrdreg $0x90000  }
0xb0: {  	[dreg:$0x4] =	wrdreg $0x9  }
0xb1: {  	_ =	task.clear_ibuf [dreg:s6], $0x5FFFF;
	_ =	strace $0x90000049  }
0xb2: {  	s29 =	simm.s32 $0x9;
	_ =	strace $0x8000004B  }
0xb3: {  	_ =	swait.ge [sflag:s29], $0x1  }
0xb4: {  	[sflag:s29] =	ssyncadd.s32 $0xFFFFFFFF  }
0xb5: {  	_ =	strace $0x9000004B  }
0xb6: {  	_ =	sfence  }
0xb7: {  	s30 =	sld [smem:$0x0];
	_ =	sdelay $0x2  }
0xb8: {  	s31 =	sshll.u32 s1, $0xD;
	s1 =	sshrl.u32 s1, $0x2  }
0xb9: {  	s3 =	sand.u32 $0x4000, s31;
	s1 =	sadd.s32 s1, s30  }
0xba: {  	s0 =	sor.u32 s3, s0;
	s1 =	sshll.u32 s1, $0x11  }
0xbb: {  	s0 =	sor.u32 s1, s0  }
0xbc: {  	s0 =	sadd.s32 $0x8F2B, s0  }
0xbd: {  	[sflag:s0] =	ssyncadd.remote.s32 $0x1  }
0xbe: {  	_ =	sfence.sel $0xFFFF  }
0xbf: {  	[dreg:$0x0] =	wrdreg $0xFFFFFFFF;
	(pc) =	sbr.abs _section_cstart, $3  }
0xc0: {  	[dreg:$0x1] =	wrdreg $0xFFFFFFFF  }
0xc1: {  	_ =	task.clear_ibuf [dreg:s6], $0x2FFFF;
	_ =	strace $0x9FFFFFFF  }
0xc2: {  	(tm) =	ssettm $0x7FFFFFFF  }
0xc3: {  	_ =	shalt  }
tec
execute0_lowered:
.L_overlay_start_1:
0x0: {  	(tag) =	ssettag $0x1  }
0x1: {  	s0 =	srdreg.scid;
	s6 =	rddreg [dreg:$0x0]  }
0x2: {  	s2 =	rddreg [dreg:$0x1];
	s3 =	simm.s32 $0x0;
	s14 =	simm.s32 $0x7D  }
0x3: {  	s15 =	simm.s32 $0x5000;
	s5 =	sand.u32 $0x1, s0;
	s0 =	stileid.u32  }
0x4: {  	s16 =	simm.s32 $0x1;
	s17 =	simm.s32 $0x0;
	s8 =	smul.u32 $0x14000, s0  }
0x5: {  	[smem:$0x7FF] =	sst s3;
	s1 =	sshll.u32 s5, $0x4;
	s9 =	smul.u32 $0x140000, s5  }
0x6: {  	s5 =	ssub.s32 $0x2, s5;
	s29 =	smul.u32 $0x50000, s0;
	s31 =	sshll.u32 s0, $0x6  }
0x7: {  	s4 =	sor.u32 s0, s1;
	s1 =	rddreg [dreg:$0x2];
	_ =	strace $0x8000004A  }
0x8: {  	s11 =	sshrl.u32 s5, $0x1;
	s7 =	smul.u32 $0x500, s4;
	s4 =	sadd.s32 $0x16800, s6  }
0x9: {  	s28 =	sshrl.u32 s8, $0x3;
	s8 =	sadd.s32 s8, s9;
	s30 =	sshrl.u32 s29, $0x2  }
0xa: {  	s11 =	ssub.s32 s5, s11;
	s8 =	sshrl.u32 s8, $0x3;
	s13 =	sadd.s32 s30, s2  }
0xb: {  	s10 =	sadd.s32 s7, s6;
	s7 =	sadd.s32 s28, s6;
	s12 =	sadd.s32 s8, s6  }
0xc: {  	s6 =	sor.u32 $0x1C02, s31;
	s5 =	sadd.s32 $0x3E800, s7;
	s7 =	sadd.s32 $0x2800, s10  }
0xd: {  	s8 =	sadd.s32 $0xC800, s10;
	s9 =	sadd.s32 $0x66800, s12;
	s10 =	smax.u32 s11, $0x1  }
0xe: {  	s11 =	sshrl.u32 s13, $0x3;
	s12 =	simm.s32 $0x2;
	s13 =	simm.s32 $0x2800  }
.LBB2_1:
0xf: {  	[spmem:s11], [sflag:s6] =	dma.local [hbm:s5], $0x2800  }
0x10: {  	_ =	swait.ge [sflag:s12], $0x2800  }
0x11: {  	[sflag:s12] =	ssyncset.done $0x0  }
0x12: {  	[sflag:s12] =	ssyncadd.s32 $0xFFFFD800  }
0x13: {  	[tilespmem:s3], [sflag:$0x2] =	stream.linear.gather [hbm4b:s7+s3], $0x2800, $0x38;
	[tilespmem:$0x1D000] =	vst v63  }
0x14: {  	_ =	swait.ge [sflag:s12], $0x2800  }
0x15: {  	[sflag:s12] =	ssyncset.done $0x0  }
0x16: {  	[sflag:s12] =	ssyncadd.s32 $0xFFFFD800  }
0x17: {  	[tilespmem:s13], [sflag:$0x2] =	stream.linear.gather [hbm4b:s8+s3], $0x2800, $0x38;
	[tilespmem:$0x1D000] =	vst v63  }
0x18: {  	_ =	swait.ge [sflag:s12], $0x2800  }
0x19: {  	[sflag:s12] =	ssyncset.done $0x0  }
0x1a: {  	[sflag:s12] =	ssyncadd.s32 $0xFFFFD800  }
0x1b: {  	s18 =	simm.s32 $0x0;
	[bflag:$0x0] =	sbarrier.arrive $0xFFFF  }
0x1c: {  	[tilespmem:s15], [sflag:$0x1] =	stream.indirect.gather [hbm4b:s4+s14], $0x80, s18, s14, $0xb8;
	[tilespmem:$0x1D000] =	vst v63  }
0x1d: {  	_ =	swait.ge [sflag:s16], $0x3E80  }
0x1e: {  	[sflag:s16] =	ssyncset.done $0x0  }
0x1f: {  	s31 =	simm.s32 $0x2800;
	[sflag:s16] =	ssyncadd.s32 $0xFFFFC180  }
0x20: {  	[spmem:s2] =	stream.indirect.scatter.add.f32 [tilespmem:s15], [sflag:$0x2], $0x80, s31, s14, $0xb8;
	[tilespmem:$0x1D000] =	vst v63  }
0x21: {  	_ =	swait.ge [sflag:s12], $0x3E80  }
0x22: {  	s19 =	simm.s32 $0x400;
	s18 =	simm.s32 $0x200;
	[sflag:s12] =	ssyncset.done $0x0  }
.LBB2_2:
0x23: {  	s20 =	sshra.s32 s18, $0x2  }
0x24: {  	[sflag:s12] =	ssyncadd.s32 $0xFFFFC180;
	s18 =	smov.u32 s19;
	s21 =	sadd.s32 $0x200, s19  }
0x25: {  	[tilespmem:s15], [sflag:$0x1] =	stream.indirect.gather [hbm4b:s4+s14], $0x80, s20, s14, $0xb8;
	[tilespmem:$0x1D000] =	vst v63  }
0x26: {  	p0 =	sne.s32 s19, $0x9E00;
	_ =	swait.ge [sflag:s16], $0x3E80  }
.Ltmp0:
0x27: {  	[sflag:s16] =	ssyncset.done $0x0;
	(pc) =	sbr.rel @p0 .LBB2_2-.Ltmp0, $4  }
0x28: {  	s19 =	sadd.s32 $0x2800, s20;
	[sflag:s16] =	ssyncadd.s32 $0xFFFFC180  }
0x29: {  	[spmem:s2] =	stream.indirect.scatter.add.f32 [tilespmem:s15], [sflag:$0x2], $0x80, s19, s14, $0xb8;
	[tilespmem:$0x1D000] =	vst v63  }
0x2a: {  	_ =	swait.ge [sflag:s12], $0x3E80  }
0x2b: {  	s19 =	smov.u32 s21;
	[sflag:s12] =	ssyncset.done $0x0  }
0x2c: {  	s18 =	sshra.s32 s18, $0x2;
	[sflag:s12] =	ssyncadd.s32 $0xFFFFC180  }
0x2d: {  	[tilespmem:s15], [sflag:$0x1] =	stream.indirect.gather [hbm4b:s4+s14], $0x80, s18, s14, $0xb8;
	[tilespmem:$0x1D000] =	vst v63  }
0x2e: {  	_ =	swait.ge [sflag:s16], $0x3E80  }
0x2f: {  	[sflag:s16] =	ssyncset.done $0x0  }
0x30: {  	s18 =	sadd.s32 $0x2800, s18;
	[sflag:s16] =	ssyncadd.s32 $0xFFFFC180  }
0x31: {  	[spmem:s2] =	stream.indirect.scatter.add.f32 [tilespmem:s15], [sflag:$0x2], $0x80, s18, s14, $0xb8;
	[tilespmem:$0x1D000] =	vst v63  }
0x32: {  	_ =	swait.ge [sflag:s12], $0x3E80  }
0x33: {  	s17 =	sadd.s32 $0x1, s17;
	[sflag:s12] =	ssyncset.done $0x0  }
0x34: {  	p0 =	sne.s32 s17, s10;
	[sflag:s12] =	ssyncadd.s32 $0xFFFFC180  }
.Ltmp1:
0x35: {  	[bflag:$0x0] =	sbarrier.arrive $0xFFFF;
	(pc) =	sbr.rel @p0 .LBB2_1-.Ltmp1, $4  }
0x36: {  	[hbm:s9], [sflag:s6] =	dma.local [spmem:s11], $0x2800  }
0x37: {  	_ =	swait.ge [sflag:s12], $0x2800  }
0x38: {  	[sflag:s12] =	ssyncset.done $0x0  }
0x39: {  	[sflag:s12] =	ssyncadd.s32 $0xFFFFD800  }
0x3a: {  	_ =	sfence.sel $0x180000  }
0x3b: {  	[bflag:$0x0] =	sbarrier.arrive $0xFFFF  }
0x3c: {  	p0 =	sne.s32 s0, $0x0;
	_ =	strace $0x9000004A  }
0x3d: {  	s0 =	sadd.s32 @!p0 $0x100000, s1;
	[bflag:$0x2] =	sbarrier.arrive $0xFFFF  }
0x3e: {  	[sflag:s0] =	ssyncadd.tile.s32 @!p0 $0x1;
	_ =	shalt  }
.Lfunc_end2:
_tile_overlayer_lowered:
.L_overlay_start_2:
0x3f: {  	(tag) =	ssettag $0x2  }
0x40: {  	s0 =	rddreg [dreg:$0x0];
	s2 =	stileid.u32  }
0x41: {  	s1 =	rddreg [dreg:$0x1];
	p0 =	sne.s32 s2, $0x0  }
0x42: {  	s3 =	rddreg [dreg:$0x2];
	[bflag:$0x3] =	sbarrier.arrive $0xFFFF;
	s2 =	simm.s32 @!p0 $0x1C02  }
0x43: {  	[timem:s3], [sflag:s2] =	dma.local @!p0 [hbm:s0], s1  }
0x44: {  	s0 =	simm.s32 @!p0 $0x2  }
0x45: {  	_ =	swait.ge @!p0 [sflag:s0], s1  }
0x46: {  	s1 =	ssub.s32 @!p0 $0x0, s1;
	[sflag:s0] =	ssyncset.done @!p0 $0x0  }
0x47: {  	[sflag:s0] =	ssyncadd.s32 @!p0 s1  }
0x48: {  	[bflag:$0x3] =	sbarrier.arrive $0xFFFF  }
0x49: {  	_ =	shalt  }

</sc_bundles>
